<compile_context>
chip_gen: v7x
topology: tpu7x:2x2x1
jax: 0.10.2.dev20260603
libtpu: 0.0.44.dev20260713+nightly
codegen_flags: <defaults>
</compile_context>

<pallas_src>
import functools

import jax
import jax.numpy as jnp
from jax import lax
from jax.experimental import pallas as pl
from jax.experimental.pallas import tpu as pltpu
from jax.experimental.pallas import tpu_sc as plsc

B = 16384
D = 128
NW = 32
B_PER_W = B // NW
CHUNK = 128
SIZES = (64, 128, 128, 128, 64)
OFFS = (0, 64, 192, 320, 448)
NCHUNK = len(SIZES)
NFBUF = 2
GROUPS = D // 16


def _sc_partials(feature, label, centers):
    mesh = plsc.VectorSubcoreMesh(core_axis_name="c", subcore_axis_name="s")

    @functools.partial(
        pl.kernel,
        mesh=mesh,
        out_type=jax.ShapeDtypeStruct((NW * 16,), jnp.float32),
        scratch_types=[
            pltpu.VMEM((NCHUNK, CHUNK), jnp.int32),
            pltpu.VMEM((NCHUNK, CHUNK, D), jnp.float32),
            pltpu.VMEM((NFBUF, CHUNK, D), jnp.float32),
            pltpu.VMEM((16,), jnp.float32),
            [pltpu.SemaphoreType.DMA] * NCHUNK,
            [pltpu.SemaphoreType.DMA] * NCHUNK,
            [pltpu.SemaphoreType.DMA] * NFBUF,
        ],
    )
    def k(feat_hbm, lab_hbm, cent_hbm, out_hbm, idx_v, cent_v, feat_v, res_v,
          sems_i, sems_c, sems_f):
        wid = lax.axis_index("s") * 2 + lax.axis_index("c")
        base = wid * B_PER_W

        hidx = [pltpu.async_copy(
                    lab_hbm.at[pl.ds(base + OFFS[c], SIZES[c])],
                    idx_v.at[c, pl.ds(0, SIZES[c])], sems_i[c])
                for c in range(NCHUNK)]
        hf = [None] * NCHUNK
        hc = [None] * NCHUNK

        def fire_feat(c):
            return pltpu.async_copy(
                feat_hbm.at[pl.ds(base + OFFS[c], SIZES[c])],
                feat_v.at[c % NFBUF, pl.ds(0, SIZES[c])], sems_f[c % NFBUF])

        for c in range(NCHUNK):
            hidx[c].wait()
            hc[c] = pltpu.async_copy(
                cent_hbm.at[idx_v.at[c, pl.ds(0, SIZES[c])]],
                cent_v.at[c, pl.ds(0, SIZES[c])], sems_c[c])
            if c < NFBUF:
                hf[c] = fire_feat(c)

        acc = tuple(jnp.zeros((16,), jnp.float32) for _ in range(GROUPS))
        for c in range(NCHUNK):
            hc[c].wait()
            hf[c].wait()

            @plsc.parallel_loop(0, SIZES[c], step=1, unroll=2, carry=acc)
            def acc(r, a, c=c):
                new = []
                for g in range(GROUPS):
                    f = feat_v[c % NFBUF, r, pl.ds(g * 16, 16)]
                    ce = cent_v[c, r, pl.ds(g * 16, 16)]
                    d_ = f - ce
                    new.append(a[g] + d_ * d_)
                return tuple(new)

            if c + NFBUF < NCHUNK:
                hf[c + NFBUF] = fire_feat(c + NFBUF)

        total = acc[0]
        for g in range(1, GROUPS):
            total = total + acc[g]
        res_v[...] = total
        pltpu.sync_copy(res_v, out_hbm.at[pl.ds(wid * 16, 16)])

    return k(feature, label, centers)


def _tc_sum(partials):
    x = partials.reshape(4, 128)

    def body(x_ref, o_ref):
        o_ref[0, 0] = jnp.sum(x_ref[...]) * 0.5

    out = pl.pallas_call(
        body,
        out_shape=jax.ShapeDtypeStruct((1, 1), jnp.float32),
        out_specs=pl.BlockSpec(memory_space=pltpu.SMEM),
    )(x)
    return out[0, 0]


@jax.jit
def kernel(feature, label, centers):
    partials = _sc_partials(feature, label, centers)
    return _tc_sum(partials)

# --- scband reference (transcript-rebuilt; emitter-appended) ---
"""Pipeline reference for scband-center-loss-72421738545242 (READ-ONLY COPY).

The authoritative reference and input builder live on the scoring server;
editing this copy changes nothing except your own understanding.
"""

import jax, jax.numpy as jnp
import numpy as np

NUM_CLASSES = 100000
FEATURE_DIM = 128
BATCH = 16384


def setup_inputs(seed: int = 0) -> dict:
    key = jax.random.key(seed)
    k1, k2, k3 = jax.random.split(key, 3)
    feature = jax.random.normal(k1, (BATCH, FEATURE_DIM), dtype=jnp.float32)
    label = jax.random.randint(k2, (BATCH,), 0, NUM_CLASSES, dtype=jnp.int32)
    centers = jax.random.normal(k3, (NUM_CLASSES, FEATURE_DIM), dtype=jnp.float32)
    return {"feature": feature, "label": label, "centers": centers}


def reference(feature, label, centers):
    # CenterLossFunc.forward: gather centers rows by label, squared distance, sum / 2
    centers_batch = jnp.take(centers, label, axis=0)  # [B, D] gather
    diff = feature - centers_batch
    loss = jnp.sum(jnp.sum(diff * diff, axis=1), axis=0) / 2.0
    return loss

if __name__ == "__main__":
    import jax
    _d = setup_inputs()
    print(jax.jit(kernel)(*tuple(_d.values())))

</pallas_src>

<mosaic_0001>
#map = affine_map<(d0, d1) -> (0, 0)>
#map1 = affine_map<(d0, d1) -> (0)>
module attributes {stable_mosaic.version = 14 : i64} {
  func.func @k(%arg0: i32, %arg1: i32, %arg2: memref<16384x128xf32, #tpu.memory_space<hbm>>, %arg3: memref<16384xi32, #tpu.memory_space<hbm>>, %arg4: memref<100000x128xf32, #tpu.memory_space<hbm>>, %arg5: memref<512xf32, #tpu.memory_space<hbm>>, %arg6: memref<5x128xi32, #tpu.memory_space<vmem>>, %arg7: memref<5x128x128xf32, #tpu.memory_space<vmem>>, %arg8: memref<2x128x128xf32, #tpu.memory_space<vmem>>, %arg9: memref<16xf32, #tpu.memory_space<vmem>>, %arg10: memref<!tpu.dma_semaphore, #tpu.memory_space<semaphore_mem>>, %arg11: memref<!tpu.dma_semaphore, #tpu.memory_space<semaphore_mem>>, %arg12: memref<!tpu.dma_semaphore, #tpu.memory_space<semaphore_mem>>, %arg13: memref<!tpu.dma_semaphore, #tpu.memory_space<semaphore_mem>>, %arg14: memref<!tpu.dma_semaphore, #tpu.memory_space<semaphore_mem>>, %arg15: memref<!tpu.dma_semaphore, #tpu.memory_space<semaphore_mem>>, %arg16: memref<!tpu.dma_semaphore, #tpu.memory_space<semaphore_mem>>, %arg17: memref<!tpu.dma_semaphore, #tpu.memory_space<semaphore_mem>>, %arg18: memref<!tpu.dma_semaphore, #tpu.memory_space<semaphore_mem>>, %arg19: memref<!tpu.dma_semaphore, #tpu.memory_space<semaphore_mem>>, %arg20: memref<!tpu.dma_semaphore, #tpu.memory_space<semaphore_mem>>, %arg21: memref<!tpu.dma_semaphore, #tpu.memory_space<semaphore_mem>>) attributes {dimension_semantics = [#tpu.dimension_semantics<core_parallel>, #tpu.dimension_semantics<subcore_parallel>], iteration_bounds = array<i64: 2, 16>, scalar_prefetch = 0 : i64, scratch_operands = 16 : i64, tpu.core_type = #tpu.core_type<sc_vector_subcore>, window_params = [{transform_indices = #map}, {transform_indices = #map1}, {transform_indices = #map}, {transform_indices = #map1}]} {
    %mul3A = arith.constant 2 : i32
    %mul3A_0 = arith.muli %arg1, %mul3A : i32
    %add3A = arith.addi %mul3A_0, %arg0 : i32
    %mul3A_1 = arith.constant 512 : i32
    %mul3A_2 = arith.muli %add3A, %mul3A_1 : i32
    %add3A_3 = arith.constant 0 : i32
    %add3A_4 = arith.addi %mul3A_2, %add3A_3 : i32
    %dma_start3A = arith.constant 0 : i32
    %dma_start3A_5 = arith.constant 0 : i32
    %dma_start3A_6 = tpu.memref_slice %arg6[%dma_start3A, %dma_start3A_5] : memref<5x128xi32, #tpu.memory_space<vmem>> -> memref<1x64xi32, #tpu.memory_space<vmem>>
    %dma_start3A_7 = tpu.memref_squeeze %dma_start3A_6 : memref<1x64xi32, #tpu.memory_space<vmem>> -> memref<64xi32, #tpu.memory_space<vmem>>
    %dma_start3A_8 = tpu.memref_slice %arg3[%add3A_4] : memref<16384xi32, #tpu.memory_space<hbm>> -> memref<64xi32, #tpu.memory_space<hbm>>
    %dma_start3A_9 = arith.constant 0 : i32
    %dma_start3A_10 = tpu.memref_slice %arg6[%dma_start3A, %dma_start3A_9] : memref<5x128xi32, #tpu.memory_space<vmem>> -> memref<1x64xi32, #tpu.memory_space<vmem>>
    %dma_start3A_11 = tpu.memref_squeeze %dma_start3A_10 : memref<1x64xi32, #tpu.memory_space<vmem>> -> memref<64xi32, #tpu.memory_space<vmem>>
    %dma_start3A_12 = tpu.memref_slice %arg3[%add3A_4] : memref<16384xi32, #tpu.memory_space<hbm>> -> memref<64xi32, #tpu.memory_space<hbm>>
    tpu.enqueue_dma source(%dma_start3A_12 : memref<64xi32, #tpu.memory_space<hbm>>) target(%dma_start3A_11 : memref<64xi32, #tpu.memory_space<vmem>>) target_semaphore(%arg10 : memref<!tpu.dma_semaphore, #tpu.memory_space<semaphore_mem>>)
    %add3A_13 = arith.constant 64 : i32
    %add3A_14 = arith.addi %mul3A_2, %add3A_13 : i32
    %dma_start3A_15 = arith.constant 1 : i32
    %dma_start3A_16 = arith.constant 0 : i32
    %dma_start3A_17 = tpu.memref_slice %arg6[%dma_start3A_15, %dma_start3A_16] : memref<5x128xi32, #tpu.memory_space<vmem>> -> memref<1x128xi32, #tpu.memory_space<vmem>>
    %dma_start3A_18 = tpu.memref_squeeze %dma_start3A_17 : memref<1x128xi32, #tpu.memory_space<vmem>> -> memref<128xi32, #tpu.memory_space<vmem>>
    %dma_start3A_19 = tpu.memref_slice %arg3[%add3A_14] : memref<16384xi32, #tpu.memory_space<hbm>> -> memref<128xi32, #tpu.memory_space<hbm>>
    %dma_start3A_20 = arith.constant 0 : i32
    %dma_start3A_21 = tpu.memref_slice %arg6[%dma_start3A_15, %dma_start3A_20] : memref<5x128xi32, #tpu.memory_space<vmem>> -> memref<1x128xi32, #tpu.memory_space<vmem>>
    %dma_start3A_22 = tpu.memref_squeeze %dma_start3A_21 : memref<1x128xi32, #tpu.memory_space<vmem>> -> memref<128xi32, #tpu.memory_space<vmem>>
    %dma_start3A_23 = tpu.memref_slice %arg3[%add3A_14] : memref<16384xi32, #tpu.memory_space<hbm>> -> memref<128xi32, #tpu.memory_space<hbm>>
    tpu.enqueue_dma source(%dma_start3A_23 : memref<128xi32, #tpu.memory_space<hbm>>) target(%dma_start3A_22 : memref<128xi32, #tpu.memory_space<vmem>>) target_semaphore(%arg11 : memref<!tpu.dma_semaphore, #tpu.memory_space<semaphore_mem>>)
    %add3A_24 = arith.constant 192 : i32
    %add3A_25 = arith.addi %mul3A_2, %add3A_24 : i32
    %dma_start3A_26 = arith.constant 2 : i32
    %dma_start3A_27 = arith.constant 0 : i32
    %dma_start3A_28 = tpu.memref_slice %arg6[%dma_start3A_26, %dma_start3A_27] : memref<5x128xi32, #tpu.memory_space<vmem>> -> memref<1x128xi32, #tpu.memory_space<vmem>>
    %dma_start3A_29 = tpu.memref_squeeze %dma_start3A_28 : memref<1x128xi32, #tpu.memory_space<vmem>> -> memref<128xi32, #tpu.memory_space<vmem>>
    %dma_start3A_30 = tpu.memref_slice %arg3[%add3A_25] : memref<16384xi32, #tpu.memory_space<hbm>> -> memref<128xi32, #tpu.memory_space<hbm>>
    %dma_start3A_31 = arith.constant 0 : i32
    %dma_start3A_32 = tpu.memref_slice %arg6[%dma_start3A_26, %dma_start3A_31] : memref<5x128xi32, #tpu.memory_space<vmem>> -> memref<1x128xi32, #tpu.memory_space<vmem>>
    %dma_start3A_33 = tpu.memref_squeeze %dma_start3A_32 : memref<1x128xi32, #tpu.memory_space<vmem>> -> memref<128xi32, #tpu.memory_space<vmem>>
    %dma_start3A_34 = tpu.memref_slice %arg3[%add3A_25] : memref<16384xi32, #tpu.memory_space<hbm>> -> memref<128xi32, #tpu.memory_space<hbm>>
    tpu.enqueue_dma source(%dma_start3A_34 : memref<128xi32, #tpu.memory_space<hbm>>) target(%dma_start3A_33 : memref<128xi32, #tpu.memory_space<vmem>>) target_semaphore(%arg12 : memref<!tpu.dma_semaphore, #tpu.memory_space<semaphore_mem>>)
    %add3A_35 = arith.constant 320 : i32
    %add3A_36 = arith.addi %mul3A_2, %add3A_35 : i32
    %dma_start3A_37 = arith.constant 3 : i32
    %dma_start3A_38 = arith.constant 0 : i32
    %dma_start3A_39 = tpu.memref_slice %arg6[%dma_start3A_37, %dma_start3A_38] : memref<5x128xi32, #tpu.memory_space<vmem>> -> memref<1x128xi32, #tpu.memory_space<vmem>>
    %dma_start3A_40 = tpu.memref_squeeze %dma_start3A_39 : memref<1x128xi32, #tpu.memory_space<vmem>> -> memref<128xi32, #tpu.memory_space<vmem>>
    %dma_start3A_41 = tpu.memref_slice %arg3[%add3A_36] : memref<16384xi32, #tpu.memory_space<hbm>> -> memref<128xi32, #tpu.memory_space<hbm>>
    %dma_start3A_42 = arith.constant 0 : i32
    %dma_start3A_43 = tpu.memref_slice %arg6[%dma_start3A_37, %dma_start3A_42] : memref<5x128xi32, #tpu.memory_space<vmem>> -> memref<1x128xi32, #tpu.memory_space<vmem>>
    %dma_start3A_44 = tpu.memref_squeeze %dma_start3A_43 : memref<1x128xi32, #tpu.memory_space<vmem>> -> memref<128xi32, #tpu.memory_space<vmem>>
    %dma_start3A_45 = tpu.memref_slice %arg3[%add3A_36] : memref<16384xi32, #tpu.memory_space<hbm>> -> memref<128xi32, #tpu.memory_space<hbm>>
    tpu.enqueue_dma source(%dma_start3A_45 : memref<128xi32, #tpu.memory_space<hbm>>) target(%dma_start3A_44 : memref<128xi32, #tpu.memory_space<vmem>>) target_semaphore(%arg13 : memref<!tpu.dma_semaphore, #tpu.memory_space<semaphore_mem>>)
    %add3A_46 = arith.constant 448 : i32
    %add3A_47 = arith.addi %mul3A_2, %add3A_46 : i32
    %dma_start3A_48 = arith.constant 4 : i32
    %dma_start3A_49 = arith.constant 0 : i32
    %dma_start3A_50 = tpu.memref_slice %arg6[%dma_start3A_48, %dma_start3A_49] : memref<5x128xi32, #tpu.memory_space<vmem>> -> memref<1x64xi32, #tpu.memory_space<vmem>>
    %dma_start3A_51 = tpu.memref_squeeze %dma_start3A_50 : memref<1x64xi32, #tpu.memory_space<vmem>> -> memref<64xi32, #tpu.memory_space<vmem>>
    %dma_start3A_52 = tpu.memref_slice %arg3[%add3A_47] : memref<16384xi32, #tpu.memory_space<hbm>> -> memref<64xi32, #tpu.memory_space<hbm>>
    %dma_start3A_53 = arith.constant 0 : i32
    %dma_start3A_54 = tpu.memref_slice %arg6[%dma_start3A_48, %dma_start3A_53] : memref<5x128xi32, #tpu.memory_space<vmem>> -> memref<1x64xi32, #tpu.memory_space<vmem>>
    %dma_start3A_55 = tpu.memref_squeeze %dma_start3A_54 : memref<1x64xi32, #tpu.memory_space<vmem>> -> memref<64xi32, #tpu.memory_space<vmem>>
    %dma_start3A_56 = tpu.memref_slice %arg3[%add3A_47] : memref<16384xi32, #tpu.memory_space<hbm>> -> memref<64xi32, #tpu.memory_space<hbm>>
    tpu.enqueue_dma source(%dma_start3A_56 : memref<64xi32, #tpu.memory_space<hbm>>) target(%dma_start3A_55 : memref<64xi32, #tpu.memory_space<vmem>>) target_semaphore(%arg14 : memref<!tpu.dma_semaphore, #tpu.memory_space<semaphore_mem>>)
    %dma_wait3A = arith.constant 0 : i32
    %dma_wait3A_57 = arith.constant 0 : i32
    %dma_wait3A_58 = tpu.memref_slice %arg6[%dma_wait3A, %dma_wait3A_57] : memref<5x128xi32, #tpu.memory_space<vmem>> -> memref<1x64xi32, #tpu.memory_space<vmem>>
    %dma_wait3A_59 = tpu.memref_squeeze %dma_wait3A_58 : memref<1x64xi32, #tpu.memory_space<vmem>> -> memref<64xi32, #tpu.memory_space<vmem>>
    %dma_wait3A_60 = tpu.memref_slice %arg3[%add3A_4] : memref<16384xi32, #tpu.memory_space<hbm>> -> memref<64xi32, #tpu.memory_space<hbm>>
    %dma_wait3A_61 = arith.constant 0 : i32
    %dma_wait3A_62 = tpu.memref_slice %arg6[%dma_wait3A, %dma_wait3A_61] : memref<5x128xi32, #tpu.memory_space<vmem>> -> memref<1x64xi32, #tpu.memory_space<vmem>>
    %dma_wait3A_63 = tpu.memref_squeeze %dma_wait3A_62 : memref<1x64xi32, #tpu.memory_space<vmem>> -> memref<64xi32, #tpu.memory_space<vmem>>
    %dma_wait3A_64 = tpu.memref_slice %arg3[%add3A_4] : memref<16384xi32, #tpu.memory_space<hbm>> -> memref<64xi32, #tpu.memory_space<hbm>>
    tpu.wait_dma2 semaphore(%arg10 : memref<!tpu.dma_semaphore, #tpu.memory_space<semaphore_mem>>) src(%dma_wait3A_64 : memref<64xi32, #tpu.memory_space<hbm>>) dst(%dma_wait3A_63 : memref<64xi32, #tpu.memory_space<vmem>>)
    %dma_start3A_65 = arith.constant 0 : i32
    %dma_start3A_66 = arith.constant 0 : i32
    %dma_start3A_67 = arith.constant 0 : i32
    %dma_start3A_68 = arith.constant 0 : i32
    %dma_start3A_69 = tpu.memref_slice %arg7[%dma_start3A_66, %dma_start3A_67, %dma_start3A_68] : memref<5x128x128xf32, #tpu.memory_space<vmem>> -> memref<1x64x128xf32, #tpu.memory_space<vmem>>
    %dma_start3A_70 = tpu.memref_squeeze %dma_start3A_69 : memref<1x64x128xf32, #tpu.memory_space<vmem>> -> memref<64x128xf32, #tpu.memory_space<vmem>>
    %dma_start3A_71 = arith.constant 0 : i32
    %dma_start3A_72 = tpu.memref_slice %arg6[%dma_start3A_65, %dma_start3A_71] : memref<5x128xi32, #tpu.memory_space<vmem>> -> memref<1x64xi32, #tpu.memory_space<vmem>>
    %dma_start3A_73 = tpu.memref_squeeze %dma_start3A_72 : memref<1x64xi32, #tpu.memory_space<vmem>> -> memref<64xi32, #tpu.memory_space<vmem>>
    %dma_start3A_74 = arith.constant 0 : i32
    %dma_start3A_75 = arith.constant 0 : i32
    %dma_start3A_76 = tpu.memref_slice %arg4[%dma_start3A_74, %dma_start3A_75] : memref<100000x128xf32, #tpu.memory_space<hbm>> -> memref<100000x128xf32, #tpu.memory_space<hbm>>
    tpu.enqueue_indirect_dma source(%dma_start3A_76 : memref<100000x128xf32, #tpu.memory_space<hbm>>) target(%dma_start3A_70 : memref<64x128xf32, #tpu.memory_space<vmem>>) offsets(%dma_start3A_73 : memref<64xi32, #tpu.memory_space<vmem>>) semaphore(%arg15 : memref<!tpu.dma_semaphore, #tpu.memory_space<semaphore_mem>>)
    %add3A_77 = arith.constant 0 : i32
    %add3A_78 = arith.addi %mul3A_2, %add3A_77 : i32
    %dma_start3A_79 = arith.constant 0 : i32
    %dma_start3A_80 = arith.constant 0 : i32
    %dma_start3A_81 = arith.constant 0 : i32
    %dma_start3A_82 = tpu.memref_slice %arg8[%dma_start3A_79, %dma_start3A_80, %dma_start3A_81] : memref<2x128x128xf32, #tpu.memory_space<vmem>> -> memref<1x64x128xf32, #tpu.memory_space<vmem>>
    %dma_start3A_83 = tpu.memref_squeeze %dma_start3A_82 : memref<1x64x128xf32, #tpu.memory_space<vmem>> -> memref<64x128xf32, #tpu.memory_space<vmem>>
    %dma_start3A_84 = arith.constant 0 : i32
    %dma_start3A_85 = tpu.memref_slice %arg2[%add3A_78, %dma_start3A_84] : memref<16384x128xf32, #tpu.memory_space<hbm>> -> memref<64x128xf32, #tpu.memory_space<hbm>>
    %dma_start3A_86 = arith.constant 0 : i32
    %dma_start3A_87 = arith.constant 0 : i32
    %dma_start3A_88 = tpu.memref_slice %arg8[%dma_start3A_79, %dma_start3A_86, %dma_start3A_87] : memref<2x128x128xf32, #tpu.memory_space<vmem>> -> memref<1x64x128xf32, #tpu.memory_space<vmem>>
    %dma_start3A_89 = tpu.memref_squeeze %dma_start3A_88 : memref<1x64x128xf32, #tpu.memory_space<vmem>> -> memref<64x128xf32, #tpu.memory_space<vmem>>
    %dma_start3A_90 = arith.constant 0 : i32
    %dma_start3A_91 = tpu.memref_slice %arg2[%add3A_78, %dma_start3A_90] : memref<16384x128xf32, #tpu.memory_space<hbm>> -> memref<64x128xf32, #tpu.memory_space<hbm>>
    tpu.enqueue_dma source(%dma_start3A_91 : memref<64x128xf32, #tpu.memory_space<hbm>>) target(%dma_start3A_89 : memref<64x128xf32, #tpu.memory_space<vmem>>) target_semaphore(%arg20 : memref<!tpu.dma_semaphore, #tpu.memory_space<semaphore_mem>>)
    %dma_wait3A_92 = arith.constant 1 : i32
    %dma_wait3A_93 = arith.constant 0 : i32
    %dma_wait3A_94 = tpu.memref_slice %arg6[%dma_wait3A_92, %dma_wait3A_93] : memref<5x128xi32, #tpu.memory_space<vmem>> -> memref<1x128xi32, #tpu.memory_space<vmem>>
    %dma_wait3A_95 = tpu.memref_squeeze %dma_wait3A_94 : memref<1x128xi32, #tpu.memory_space<vmem>> -> memref<128xi32, #tpu.memory_space<vmem>>
    %dma_wait3A_96 = tpu.memref_slice %arg3[%add3A_14] : memref<16384xi32, #tpu.memory_space<hbm>> -> memref<128xi32, #tpu.memory_space<hbm>>
    %dma_wait3A_97 = arith.constant 0 : i32
    %dma_wait3A_98 = tpu.memref_slice %arg6[%dma_wait3A_92, %dma_wait3A_97] : memref<5x128xi32, #tpu.memory_space<vmem>> -> memref<1x128xi32, #tpu.memory_space<vmem>>
    %dma_wait3A_99 = tpu.memref_squeeze %dma_wait3A_98 : memref<1x128xi32, #tpu.memory_space<vmem>> -> memref<128xi32, #tpu.memory_space<vmem>>
    %dma_wait3A_100 = tpu.memref_slice %arg3[%add3A_14] : memref<16384xi32, #tpu.memory_space<hbm>> -> memref<128xi32, #tpu.memory_space<hbm>>
    tpu.wait_dma2 semaphore(%arg11 : memref<!tpu.dma_semaphore, #tpu.memory_space<semaphore_mem>>) src(%dma_wait3A_100 : memref<128xi32, #tpu.memory_space<hbm>>) dst(%dma_wait3A_99 : memref<128xi32, #tpu.memory_space<vmem>>)
    %dma_start3A_101 = arith.constant 1 : i32
    %dma_start3A_102 = arith.constant 1 : i32
    %dma_start3A_103 = arith.constant 0 : i32
    %dma_start3A_104 = arith.constant 0 : i32
    %dma_start3A_105 = tpu.memref_slice %arg7[%dma_start3A_102, %dma_start3A_103, %dma_start3A_104] : memref<5x128x128xf32, #tpu.memory_space<vmem>> -> memref<1x128x128xf32, #tpu.memory_space<vmem>>
    %dma_start3A_106 = tpu.memref_squeeze %dma_start3A_105 : memref<1x128x128xf32, #tpu.memory_space<vmem>> -> memref<128x128xf32, #tpu.memory_space<vmem>>
    %dma_start3A_107 = arith.constant 0 : i32
    %dma_start3A_108 = tpu.memref_slice %arg6[%dma_start3A_101, %dma_start3A_107] : memref<5x128xi32, #tpu.memory_space<vmem>> -> memref<1x128xi32, #tpu.memory_space<vmem>>
    %dma_start3A_109 = tpu.memref_squeeze %dma_start3A_108 : memref<1x128xi32, #tpu.memory_space<vmem>> -> memref<128xi32, #tpu.memory_space<vmem>>
    %dma_start3A_110 = arith.constant 0 : i32
    %dma_start3A_111 = arith.constant 0 : i32
    %dma_start3A_112 = tpu.memref_slice %arg4[%dma_start3A_110, %dma_start3A_111] : memref<100000x128xf32, #tpu.memory_space<hbm>> -> memref<100000x128xf32, #tpu.memory_space<hbm>>
    tpu.enqueue_indirect_dma source(%dma_start3A_112 : memref<100000x128xf32, #tpu.memory_space<hbm>>) target(%dma_start3A_106 : memref<128x128xf32, #tpu.memory_space<vmem>>) offsets(%dma_start3A_109 : memref<128xi32, #tpu.memory_space<vmem>>) semaphore(%arg16 : memref<!tpu.dma_semaphore, #tpu.memory_space<semaphore_mem>>)
    %add3A_113 = arith.constant 64 : i32
    %add3A_114 = arith.addi %mul3A_2, %add3A_113 : i32
    %dma_start3A_115 = arith.constant 1 : i32
    %dma_start3A_116 = arith.constant 0 : i32
    %dma_start3A_117 = arith.constant 0 : i32
    %dma_start3A_118 = tpu.memref_slice %arg8[%dma_start3A_115, %dma_start3A_116, %dma_start3A_117] : memref<2x128x128xf32, #tpu.memory_space<vmem>> -> memref<1x128x128xf32, #tpu.memory_space<vmem>>
    %dma_start3A_119 = tpu.memref_squeeze %dma_start3A_118 : memref<1x128x128xf32, #tpu.memory_space<vmem>> -> memref<128x128xf32, #tpu.memory_space<vmem>>
    %dma_start3A_120 = arith.constant 0 : i32
    %dma_start3A_121 = tpu.memref_slice %arg2[%add3A_114, %dma_start3A_120] : memref<16384x128xf32, #tpu.memory_space<hbm>> -> memref<128x128xf32, #tpu.memory_space<hbm>>
    %dma_start3A_122 = arith.constant 0 : i32
    %dma_start3A_123 = arith.constant 0 : i32
    %dma_start3A_124 = tpu.memref_slice %arg8[%dma_start3A_115, %dma_start3A_122, %dma_start3A_123] : memref<2x128x128xf32, #tpu.memory_space<vmem>> -> memref<1x128x128xf32, #tpu.memory_space<vmem>>
    %dma_start3A_125 = tpu.memref_squeeze %dma_start3A_124 : memref<1x128x128xf32, #tpu.memory_space<vmem>> -> memref<128x128xf32, #tpu.memory_space<vmem>>
    %dma_start3A_126 = arith.constant 0 : i32
    %dma_start3A_127 = tpu.memref_slice %arg2[%add3A_114, %dma_start3A_126] : memref<16384x128xf32, #tpu.memory_space<hbm>> -> memref<128x128xf32, #tpu.memory_space<hbm>>
    tpu.enqueue_dma source(%dma_start3A_127 : memref<128x128xf32, #tpu.memory_space<hbm>>) target(%dma_start3A_125 : memref<128x128xf32, #tpu.memory_space<vmem>>) target_semaphore(%arg21 : memref<!tpu.dma_semaphore, #tpu.memory_space<semaphore_mem>>)
    %dma_wait3A_128 = arith.constant 2 : i32
    %dma_wait3A_129 = arith.constant 0 : i32
    %dma_wait3A_130 = tpu.memref_slice %arg6[%dma_wait3A_128, %dma_wait3A_129] : memref<5x128xi32, #tpu.memory_space<vmem>> -> memref<1x128xi32, #tpu.memory_space<vmem>>
    %dma_wait3A_131 = tpu.memref_squeeze %dma_wait3A_130 : memref<1x128xi32, #tpu.memory_space<vmem>> -> memref<128xi32, #tpu.memory_space<vmem>>
    %dma_wait3A_132 = tpu.memref_slice %arg3[%add3A_25] : memref<16384xi32, #tpu.memory_space<hbm>> -> memref<128xi32, #tpu.memory_space<hbm>>
    %dma_wait3A_133 = arith.constant 0 : i32
    %dma_wait3A_134 = tpu.memref_slice %arg6[%dma_wait3A_128, %dma_wait3A_133] : memref<5x128xi32, #tpu.memory_space<vmem>> -> memref<1x128xi32, #tpu.memory_space<vmem>>
    %dma_wait3A_135 = tpu.memref_squeeze %dma_wait3A_134 : memref<1x128xi32, #tpu.memory_space<vmem>> -> memref<128xi32, #tpu.memory_space<vmem>>
    %dma_wait3A_136 = tpu.memref_slice %arg3[%add3A_25] : memref<16384xi32, #tpu.memory_space<hbm>> -> memref<128xi32, #tpu.memory_space<hbm>>
    tpu.wait_dma2 semaphore(%arg12 : memref<!tpu.dma_semaphore, #tpu.memory_space<semaphore_mem>>) src(%dma_wait3A_136 : memref<128xi32, #tpu.memory_space<hbm>>) dst(%dma_wait3A_135 : memref<128xi32, #tpu.memory_space<vmem>>)
    %dma_start3A_137 = arith.constant 2 : i32
    %dma_start3A_138 = arith.constant 2 : i32
    %dma_start3A_139 = arith.constant 0 : i32
    %dma_start3A_140 = arith.constant 0 : i32
    %dma_start3A_141 = tpu.memref_slice %arg7[%dma_start3A_138, %dma_start3A_139, %dma_start3A_140] : memref<5x128x128xf32, #tpu.memory_space<vmem>> -> memref<1x128x128xf32, #tpu.memory_space<vmem>>
    %dma_start3A_142 = tpu.memref_squeeze %dma_start3A_141 : memref<1x128x128xf32, #tpu.memory_space<vmem>> -> memref<128x128xf32, #tpu.memory_space<vmem>>
    %dma_start3A_143 = arith.constant 0 : i32
    %dma_start3A_144 = tpu.memref_slice %arg6[%dma_start3A_137, %dma_start3A_143] : memref<5x128xi32, #tpu.memory_space<vmem>> -> memref<1x128xi32, #tpu.memory_space<vmem>>
    %dma_start3A_145 = tpu.memref_squeeze %dma_start3A_144 : memref<1x128xi32, #tpu.memory_space<vmem>> -> memref<128xi32, #tpu.memory_space<vmem>>
    %dma_start3A_146 = arith.constant 0 : i32
    %dma_start3A_147 = arith.constant 0 : i32
    %dma_start3A_148 = tpu.memref_slice %arg4[%dma_start3A_146, %dma_start3A_147] : memref<100000x128xf32, #tpu.memory_space<hbm>> -> memref<100000x128xf32, #tpu.memory_space<hbm>>
    tpu.enqueue_indirect_dma source(%dma_start3A_148 : memref<100000x128xf32, #tpu.memory_space<hbm>>) target(%dma_start3A_142 : memref<128x128xf32, #tpu.memory_space<vmem>>) offsets(%dma_start3A_145 : memref<128xi32, #tpu.memory_space<vmem>>) semaphore(%arg17 : memref<!tpu.dma_semaphore, #tpu.memory_space<semaphore_mem>>)
    %dma_wait3A_149 = arith.constant 3 : i32
    %dma_wait3A_150 = arith.constant 0 : i32
    %dma_wait3A_151 = tpu.memref_slice %arg6[%dma_wait3A_149, %dma_wait3A_150] : memref<5x128xi32, #tpu.memory_space<vmem>> -> memref<1x128xi32, #tpu.memory_space<vmem>>
    %dma_wait3A_152 = tpu.memref_squeeze %dma_wait3A_151 : memref<1x128xi32, #tpu.memory_space<vmem>> -> memref<128xi32, #tpu.memory_space<vmem>>
    %dma_wait3A_153 = tpu.memref_slice %arg3[%add3A_36] : memref<16384xi32, #tpu.memory_space<hbm>> -> memref<128xi32, #tpu.memory_space<hbm>>
    %dma_wait3A_154 = arith.constant 0 : i32
    %dma_wait3A_155 = tpu.memref_slice %arg6[%dma_wait3A_149, %dma_wait3A_154] : memref<5x128xi32, #tpu.memory_space<vmem>> -> memref<1x128xi32, #tpu.memory_space<vmem>>
    %dma_wait3A_156 = tpu.memref_squeeze %dma_wait3A_155 : memref<1x128xi32, #tpu.memory_space<vmem>> -> memref<128xi32, #tpu.memory_space<vmem>>
    %dma_wait3A_157 = tpu.memref_slice %arg3[%add3A_36] : memref<16384xi32, #tpu.memory_space<hbm>> -> memref<128xi32, #tpu.memory_space<hbm>>
    tpu.wait_dma2 semaphore(%arg13 : memref<!tpu.dma_semaphore, #tpu.memory_space<semaphore_mem>>) src(%dma_wait3A_157 : memref<128xi32, #tpu.memory_space<hbm>>) dst(%dma_wait3A_156 : memref<128xi32, #tpu.memory_space<vmem>>)
    %dma_start3A_158 = arith.constant 3 : i32
    %dma_start3A_159 = arith.constant 3 : i32
    %dma_start3A_160 = arith.constant 0 : i32
    %dma_start3A_161 = arith.constant 0 : i32
    %dma_start3A_162 = tpu.memref_slice %arg7[%dma_start3A_159, %dma_start3A_160, %dma_start3A_161] : memref<5x128x128xf32, #tpu.memory_space<vmem>> -> memref<1x128x128xf32, #tpu.memory_space<vmem>>
    %dma_start3A_163 = tpu.memref_squeeze %dma_start3A_162 : memref<1x128x128xf32, #tpu.memory_space<vmem>> -> memref<128x128xf32, #tpu.memory_space<vmem>>
    %dma_start3A_164 = arith.constant 0 : i32
    %dma_start3A_165 = tpu.memref_slice %arg6[%dma_start3A_158, %dma_start3A_164] : memref<5x128xi32, #tpu.memory_space<vmem>> -> memref<1x128xi32, #tpu.memory_space<vmem>>
    %dma_start3A_166 = tpu.memref_squeeze %dma_start3A_165 : memref<1x128xi32, #tpu.memory_space<vmem>> -> memref<128xi32, #tpu.memory_space<vmem>>
    %dma_start3A_167 = arith.constant 0 : i32
    %dma_start3A_168 = arith.constant 0 : i32
    %dma_start3A_169 = tpu.memref_slice %arg4[%dma_start3A_167, %dma_start3A_168] : memref<100000x128xf32, #tpu.memory_space<hbm>> -> memref<100000x128xf32, #tpu.memory_space<hbm>>
    tpu.enqueue_indirect_dma source(%dma_start3A_169 : memref<100000x128xf32, #tpu.memory_space<hbm>>) target(%dma_start3A_163 : memref<128x128xf32, #tpu.memory_space<vmem>>) offsets(%dma_start3A_166 : memref<128xi32, #tpu.memory_space<vmem>>) semaphore(%arg18 : memref<!tpu.dma_semaphore, #tpu.memory_space<semaphore_mem>>)
    %dma_wait3A_170 = arith.constant 4 : i32
    %dma_wait3A_171 = arith.constant 0 : i32
    %dma_wait3A_172 = tpu.memref_slice %arg6[%dma_wait3A_170, %dma_wait3A_171] : memref<5x128xi32, #tpu.memory_space<vmem>> -> memref<1x64xi32, #tpu.memory_space<vmem>>
    %dma_wait3A_173 = tpu.memref_squeeze %dma_wait3A_172 : memref<1x64xi32, #tpu.memory_space<vmem>> -> memref<64xi32, #tpu.memory_space<vmem>>
    %dma_wait3A_174 = tpu.memref_slice %arg3[%add3A_47] : memref<16384xi32, #tpu.memory_space<hbm>> -> memref<64xi32, #tpu.memory_space<hbm>>
    %dma_wait3A_175 = arith.constant 0 : i32
    %dma_wait3A_176 = tpu.memref_slice %arg6[%dma_wait3A_170, %dma_wait3A_175] : memref<5x128xi32, #tpu.memory_space<vmem>> -> memref<1x64xi32, #tpu.memory_space<vmem>>
    %dma_wait3A_177 = tpu.memref_squeeze %dma_wait3A_176 : memref<1x64xi32, #tpu.memory_space<vmem>> -> memref<64xi32, #tpu.memory_space<vmem>>
    %dma_wait3A_178 = tpu.memref_slice %arg3[%add3A_47] : memref<16384xi32, #tpu.memory_space<hbm>> -> memref<64xi32, #tpu.memory_space<hbm>>
    tpu.wait_dma2 semaphore(%arg14 : memref<!tpu.dma_semaphore, #tpu.memory_space<semaphore_mem>>) src(%dma_wait3A_178 : memref<64xi32, #tpu.memory_space<hbm>>) dst(%dma_wait3A_177 : memref<64xi32, #tpu.memory_space<vmem>>)
    %dma_start3A_179 = arith.constant 4 : i32
    %dma_start3A_180 = arith.constant 4 : i32
    %dma_start3A_181 = arith.constant 0 : i32
    %dma_start3A_182 = arith.constant 0 : i32
    %dma_start3A_183 = tpu.memref_slice %arg7[%dma_start3A_180, %dma_start3A_181, %dma_start3A_182] : memref<5x128x128xf32, #tpu.memory_space<vmem>> -> memref<1x64x128xf32, #tpu.memory_space<vmem>>
    %dma_start3A_184 = tpu.memref_squeeze %dma_start3A_183 : memref<1x64x128xf32, #tpu.memory_space<vmem>> -> memref<64x128xf32, #tpu.memory_space<vmem>>
    %dma_start3A_185 = arith.constant 0 : i32
    %dma_start3A_186 = tpu.memref_slice %arg6[%dma_start3A_179, %dma_start3A_185] : memref<5x128xi32, #tpu.memory_space<vmem>> -> memref<1x64xi32, #tpu.memory_space<vmem>>
    %dma_start3A_187 = tpu.memref_squeeze %dma_start3A_186 : memref<1x64xi32, #tpu.memory_space<vmem>> -> memref<64xi32, #tpu.memory_space<vmem>>
    %dma_start3A_188 = arith.constant 0 : i32
    %dma_start3A_189 = arith.constant 0 : i32
    %dma_start3A_190 = tpu.memref_slice %arg4[%dma_start3A_188, %dma_start3A_189] : memref<100000x128xf32, #tpu.memory_space<hbm>> -> memref<100000x128xf32, #tpu.memory_space<hbm>>
    tpu.enqueue_indirect_dma source(%dma_start3A_190 : memref<100000x128xf32, #tpu.memory_space<hbm>>) target(%dma_start3A_184 : memref<64x128xf32, #tpu.memory_space<vmem>>) offsets(%dma_start3A_187 : memref<64xi32, #tpu.memory_space<vmem>>) semaphore(%arg19 : memref<!tpu.dma_semaphore, #tpu.memory_space<semaphore_mem>>)
    %broadcast_in_dim3A = arith.constant 0.000000e+00 : f32
    %broadcast_in_dim3A_191 = vector.broadcast %broadcast_in_dim3A : f32 to vector<16xf32>
    %broadcast_in_dim3A_192 = arith.constant 0.000000e+00 : f32
    %broadcast_in_dim3A_193 = vector.broadcast %broadcast_in_dim3A_192 : f32 to vector<16xf32>
    %broadcast_in_dim3A_194 = arith.constant 0.000000e+00 : f32
    %broadcast_in_dim3A_195 = vector.broadcast %broadcast_in_dim3A_194 : f32 to vector<16xf32>
    %broadcast_in_dim3A_196 = arith.constant 0.000000e+00 : f32
    %broadcast_in_dim3A_197 = vector.broadcast %broadcast_in_dim3A_196 : f32 to vector<16xf32>
    %broadcast_in_dim3A_198 = arith.constant 0.000000e+00 : f32
    %broadcast_in_dim3A_199 = vector.broadcast %broadcast_in_dim3A_198 : f32 to vector<16xf32>
    %broadcast_in_dim3A_200 = arith.constant 0.000000e+00 : f32
    %broadcast_in_dim3A_201 = vector.broadcast %broadcast_in_dim3A_200 : f32 to vector<16xf32>
    %broadcast_in_dim3A_202 = arith.constant 0.000000e+00 : f32
    %broadcast_in_dim3A_203 = vector.broadcast %broadcast_in_dim3A_202 : f32 to vector<16xf32>
    %broadcast_in_dim3A_204 = arith.constant 0.000000e+00 : f32
    %broadcast_in_dim3A_205 = vector.broadcast %broadcast_in_dim3A_204 : f32 to vector<16xf32>
    %dma_wait3A_206 = arith.constant 0 : i32
    %dma_wait3A_207 = arith.constant 0 : i32
    %dma_wait3A_208 = arith.constant 0 : i32
    %dma_wait3A_209 = arith.constant 0 : i32
    %dma_wait3A_210 = tpu.memref_slice %arg7[%dma_wait3A_207, %dma_wait3A_208, %dma_wait3A_209] : memref<5x128x128xf32, #tpu.memory_space<vmem>> -> memref<1x64x128xf32, #tpu.memory_space<vmem>>
    %dma_wait3A_211 = tpu.memref_squeeze %dma_wait3A_210 : memref<1x64x128xf32, #tpu.memory_space<vmem>> -> memref<64x128xf32, #tpu.memory_space<vmem>>
    %dma_wait3A_212 = arith.constant 0 : i32
    %dma_wait3A_213 = tpu.memref_slice %arg6[%dma_wait3A_206, %dma_wait3A_212] : memref<5x128xi32, #tpu.memory_space<vmem>> -> memref<1x64xi32, #tpu.memory_space<vmem>>
    %dma_wait3A_214 = tpu.memref_squeeze %dma_wait3A_213 : memref<1x64xi32, #tpu.memory_space<vmem>> -> memref<64xi32, #tpu.memory_space<vmem>>
    %dma_wait3A_215 = arith.constant 0 : i32
    %dma_wait3A_216 = arith.constant 0 : i32
    %dma_wait3A_217 = tpu.memref_slice %arg4[%dma_wait3A_215, %dma_wait3A_216] : memref<100000x128xf32, #tpu.memory_space<hbm>> -> memref<100000x128xf32, #tpu.memory_space<hbm>>
    tpu.wait_indirect_dma semaphore(%arg15 : memref<!tpu.dma_semaphore, #tpu.memory_space<semaphore_mem>>) src(%dma_wait3A_217 : memref<100000x128xf32, #tpu.memory_space<hbm>>) dst(%dma_wait3A_211 : memref<64x128xf32, #tpu.memory_space<vmem>>)
    %dma_wait3A_218 = arith.constant 0 : i32
    %dma_wait3A_219 = arith.constant 0 : i32
    %dma_wait3A_220 = arith.constant 0 : i32
    %dma_wait3A_221 = tpu.memref_slice %arg8[%dma_wait3A_218, %dma_wait3A_219, %dma_wait3A_220] : memref<2x128x128xf32, #tpu.memory_space<vmem>> -> memref<1x64x128xf32, #tpu.memory_space<vmem>>
    %dma_wait3A_222 = tpu.memref_squeeze %dma_wait3A_221 : memref<1x64x128xf32, #tpu.memory_space<vmem>> -> memref<64x128xf32, #tpu.memory_space<vmem>>
    %dma_wait3A_223 = arith.constant 0 : i32
    %dma_wait3A_224 = tpu.memref_slice %arg2[%add3A_78, %dma_wait3A_223] : memref<16384x128xf32, #tpu.memory_space<hbm>> -> memref<64x128xf32, #tpu.memory_space<hbm>>
    %dma_wait3A_225 = arith.constant 0 : i32
    %dma_wait3A_226 = arith.constant 0 : i32
    %dma_wait3A_227 = tpu.memref_slice %arg8[%dma_wait3A_218, %dma_wait3A_225, %dma_wait3A_226] : memref<2x128x128xf32, #tpu.memory_space<vmem>> -> memref<1x64x128xf32, #tpu.memory_space<vmem>>
    %dma_wait3A_228 = tpu.memref_squeeze %dma_wait3A_227 : memref<1x64x128xf32, #tpu.memory_space<vmem>> -> memref<64x128xf32, #tpu.memory_space<vmem>>
    %dma_wait3A_229 = arith.constant 0 : i32
    %dma_wait3A_230 = tpu.memref_slice %arg2[%add3A_78, %dma_wait3A_229] : memref<16384x128xf32, #tpu.memory_space<hbm>> -> memref<64x128xf32, #tpu.memory_space<hbm>>
    tpu.wait_dma2 semaphore(%arg20 : memref<!tpu.dma_semaphore, #tpu.memory_space<semaphore_mem>>) src(%dma_wait3A_230 : memref<64x128xf32, #tpu.memory_space<hbm>>) dst(%dma_wait3A_228 : memref<64x128xf32, #tpu.memory_space<vmem>>)
    %parallel_loop3A = arith.constant 0 : i32
    %parallel_loop3A_231 = arith.constant 64 : i32
    %parallel_loop3A_232 = arith.constant 1 : i32
    %parallel_loop3A_233:8 = scf.for %parallel_loop3A_407 = %parallel_loop3A to %parallel_loop3A_231 step %parallel_loop3A_232 iter_args(%parallel_loop3A_408 = %broadcast_in_dim3A_191, %parallel_loop3A_409 = %broadcast_in_dim3A_193, %parallel_loop3A_410 = %broadcast_in_dim3A_195, %parallel_loop3A_411 = %broadcast_in_dim3A_197, %parallel_loop3A_412 = %broadcast_in_dim3A_199, %parallel_loop3A_413 = %broadcast_in_dim3A_201, %parallel_loop3A_414 = %broadcast_in_dim3A_203, %parallel_loop3A_415 = %broadcast_in_dim3A_205) -> (vector<16xf32>, vector<16xf32>, vector<16xf32>, vector<16xf32>, vector<16xf32>, vector<16xf32>, vector<16xf32>, vector<16xf32>)  : i32 {
      %parallel_loop3A_416 = arith.constant 0 : i32
      %parallel_loop3A_417 = arith.index_cast %parallel_loop3A_416 : i32 to index
      %parallel_loop3A_418 = arith.index_cast %parallel_loop3A_407 : i32 to index
      %parallel_loop3A_419 = arith.constant 0 : index
      %parallel_loop3A_420 = tpu.vector_load %arg8[%parallel_loop3A_417, %parallel_loop3A_418, %parallel_loop3A_419] {strides = array<i32>} : memref<2x128x128xf32, #tpu.memory_space<vmem>>, vector<1x1x16xf32>,
      %parallel_loop3A_421 = vector.shape_cast %parallel_loop3A_420 : vector<1x1x16xf32> to vector<16xf32>
      %parallel_loop3A_422 = arith.constant 0 : i32
      %parallel_loop3A_423 = arith.index_cast %parallel_loop3A_422 : i32 to index
      %parallel_loop3A_424 = arith.index_cast %parallel_loop3A_407 : i32 to index
      %parallel_loop3A_425 = arith.constant 0 : index
      %parallel_loop3A_426 = tpu.vector_load %arg7[%parallel_loop3A_423, %parallel_loop3A_424, %parallel_loop3A_425] {strides = array<i32>} : memref<5x128x128xf32, #tpu.memory_space<vmem>>, vector<1x1x16xf32>,
      %parallel_loop3A_427 = vector.shape_cast %parallel_loop3A_426 : vector<1x1x16xf32> to vector<16xf32>
      %parallel_loop3A_428 = arith.subf %parallel_loop3A_421, %parallel_loop3A_427 : vector<16xf32>
      %parallel_loop3A_429 = arith.mulf %parallel_loop3A_428, %parallel_loop3A_428 : vector<16xf32>
      %parallel_loop3A_430 = arith.addf %parallel_loop3A_408, %parallel_loop3A_429 : vector<16xf32>
      %parallel_loop3A_431 = arith.constant 0 : i32
      %parallel_loop3A_432 = arith.index_cast %parallel_loop3A_431 : i32 to index
      %parallel_loop3A_433 = arith.index_cast %parallel_loop3A_407 : i32 to index
      %parallel_loop3A_434 = arith.constant 16 : index
      %parallel_loop3A_435 = tpu.vector_load %arg8[%parallel_loop3A_432, %parallel_loop3A_433, %parallel_loop3A_434] {strides = array<i32>} : memref<2x128x128xf32, #tpu.memory_space<vmem>>, vector<1x1x16xf32>,
      %parallel_loop3A_436 = vector.shape_cast %parallel_loop3A_435 : vector<1x1x16xf32> to vector<16xf32>
      %parallel_loop3A_437 = arith.constant 0 : i32
      %parallel_loop3A_438 = arith.index_cast %parallel_loop3A_437 : i32 to index
      %parallel_loop3A_439 = arith.index_cast %parallel_loop3A_407 : i32 to index
      %parallel_loop3A_440 = arith.constant 16 : index
      %parallel_loop3A_441 = tpu.vector_load %arg7[%parallel_loop3A_438, %parallel_loop3A_439, %parallel_loop3A_440] {strides = array<i32>} : memref<5x128x128xf32, #tpu.memory_space<vmem>>, vector<1x1x16xf32>,
      %parallel_loop3A_442 = vector.shape_cast %parallel_loop3A_441 : vector<1x1x16xf32> to vector<16xf32>
      %parallel_loop3A_443 = arith.subf %parallel_loop3A_436, %parallel_loop3A_442 : vector<16xf32>
      %parallel_loop3A_444 = arith.mulf %parallel_loop3A_443, %parallel_loop3A_443 : vector<16xf32>
      %parallel_loop3A_445 = arith.addf %parallel_loop3A_409, %parallel_loop3A_444 : vector<16xf32>
      %parallel_loop3A_446 = arith.constant 0 : i32
      %parallel_loop3A_447 = arith.index_cast %parallel_loop3A_446 : i32 to index
      %parallel_loop3A_448 = arith.index_cast %parallel_loop3A_407 : i32 to index
      %parallel_loop3A_449 = arith.constant 32 : index
      %parallel_loop3A_450 = tpu.vector_load %arg8[%parallel_loop3A_447, %parallel_loop3A_448, %parallel_loop3A_449] {strides = array<i32>} : memref<2x128x128xf32, #tpu.memory_space<vmem>>, vector<1x1x16xf32>,
      %parallel_loop3A_451 = vector.shape_cast %parallel_loop3A_450 : vector<1x1x16xf32> to vector<16xf32>
      %parallel_loop3A_452 = arith.constant 0 : i32
      %parallel_loop3A_453 = arith.index_cast %parallel_loop3A_452 : i32 to index
      %parallel_loop3A_454 = arith.index_cast %parallel_loop3A_407 : i32 to index
      %parallel_loop3A_455 = arith.constant 32 : index
      %parallel_loop3A_456 = tpu.vector_load %arg7[%parallel_loop3A_453, %parallel_loop3A_454, %parallel_loop3A_455] {strides = array<i32>} : memref<5x128x128xf32, #tpu.memory_space<vmem>>, vector<1x1x16xf32>,
      %parallel_loop3A_457 = vector.shape_cast %parallel_loop3A_456 : vector<1x1x16xf32> to vector<16xf32>
      %parallel_loop3A_458 = arith.subf %parallel_loop3A_451, %parallel_loop3A_457 : vector<16xf32>
      %parallel_loop3A_459 = arith.mulf %parallel_loop3A_458, %parallel_loop3A_458 : vector<16xf32>
      %parallel_loop3A_460 = arith.addf %parallel_loop3A_410, %parallel_loop3A_459 : vector<16xf32>
      %parallel_loop3A_461 = arith.constant 0 : i32
      %parallel_loop3A_462 = arith.index_cast %parallel_loop3A_461 : i32 to index
      %parallel_loop3A_463 = arith.index_cast %parallel_loop3A_407 : i32 to index
      %parallel_loop3A_464 = arith.constant 48 : index
      %parallel_loop3A_465 = tpu.vector_load %arg8[%parallel_loop3A_462, %parallel_loop3A_463, %parallel_loop3A_464] {strides = array<i32>} : memref<2x128x128xf32, #tpu.memory_space<vmem>>, vector<1x1x16xf32>,
      %parallel_loop3A_466 = vector.shape_cast %parallel_loop3A_465 : vector<1x1x16xf32> to vector<16xf32>
      %parallel_loop3A_467 = arith.constant 0 : i32
      %parallel_loop3A_468 = arith.index_cast %parallel_loop3A_467 : i32 to index
      %parallel_loop3A_469 = arith.index_cast %parallel_loop3A_407 : i32 to index
      %parallel_loop3A_470 = arith.constant 48 : index
      %parallel_loop3A_471 = tpu.vector_load %arg7[%parallel_loop3A_468, %parallel_loop3A_469, %parallel_loop3A_470] {strides = array<i32>} : memref<5x128x128xf32, #tpu.memory_space<vmem>>, vector<1x1x16xf32>,
      %parallel_loop3A_472 = vector.shape_cast %parallel_loop3A_471 : vector<1x1x16xf32> to vector<16xf32>
      %parallel_loop3A_473 = arith.subf %parallel_loop3A_466, %parallel_loop3A_472 : vector<16xf32>
      %parallel_loop3A_474 = arith.mulf %parallel_loop3A_473, %parallel_loop3A_473 : vector<16xf32>
      %parallel_loop3A_475 = arith.addf %parallel_loop3A_411, %parallel_loop3A_474 : vector<16xf32>
      %parallel_loop3A_476 = arith.constant 0 : i32
      %parallel_loop3A_477 = arith.index_cast %parallel_loop3A_476 : i32 to index
      %parallel_loop3A_478 = arith.index_cast %parallel_loop3A_407 : i32 to index
      %parallel_loop3A_479 = arith.constant 64 : index
      %parallel_loop3A_480 = tpu.vector_load %arg8[%parallel_loop3A_477, %parallel_loop3A_478, %parallel_loop3A_479] {strides = array<i32>} : memref<2x128x128xf32, #tpu.memory_space<vmem>>, vector<1x1x16xf32>,
      %parallel_loop3A_481 = vector.shape_cast %parallel_loop3A_480 : vector<1x1x16xf32> to vector<16xf32>
      %parallel_loop3A_482 = arith.constant 0 : i32
      %parallel_loop3A_483 = arith.index_cast %parallel_loop3A_482 : i32 to index
      %parallel_loop3A_484 = arith.index_cast %parallel_loop3A_407 : i32 to index
      %parallel_loop3A_485 = arith.constant 64 : index
      %parallel_loop3A_486 = tpu.vector_load %arg7[%parallel_loop3A_483, %parallel_loop3A_484, %parallel_loop3A_485] {strides = array<i32>} : memref<5x128x128xf32, #tpu.memory_space<vmem>>, vector<1x1x16xf32>,
      %parallel_loop3A_487 = vector.shape_cast %parallel_loop3A_486 : vector<1x1x16xf32> to vector<16xf32>
      %parallel_loop3A_488 = arith.subf %parallel_loop3A_481, %parallel_loop3A_487 : vector<16xf32>
      %parallel_loop3A_489 = arith.mulf %parallel_loop3A_488, %parallel_loop3A_488 : vector<16xf32>
      %parallel_loop3A_490 = arith.addf %parallel_loop3A_412, %parallel_loop3A_489 : vector<16xf32>
      %parallel_loop3A_491 = arith.constant 0 : i32
      %parallel_loop3A_492 = arith.index_cast %parallel_loop3A_491 : i32 to index
      %parallel_loop3A_493 = arith.index_cast %parallel_loop3A_407 : i32 to index
      %parallel_loop3A_494 = arith.constant 80 : index
      %parallel_loop3A_495 = tpu.vector_load %arg8[%parallel_loop3A_492, %parallel_loop3A_493, %parallel_loop3A_494] {strides = array<i32>} : memref<2x128x128xf32, #tpu.memory_space<vmem>>, vector<1x1x16xf32>,
      %parallel_loop3A_496 = vector.shape_cast %parallel_loop3A_495 : vector<1x1x16xf32> to vector<16xf32>
      %parallel_loop3A_497 = arith.constant 0 : i32
      %parallel_loop3A_498 = arith.index_cast %parallel_loop3A_497 : i32 to index
      %parallel_loop3A_499 = arith.index_cast %parallel_loop3A_407 : i32 to index
      %parallel_loop3A_500 = arith.constant 80 : index
      %parallel_loop3A_501 = tpu.vector_load %arg7[%parallel_loop3A_498, %parallel_loop3A_499, %parallel_loop3A_500] {strides = array<i32>} : memref<5x128x128xf32, #tpu.memory_space<vmem>>, vector<1x1x16xf32>,
      %parallel_loop3A_502 = vector.shape_cast %parallel_loop3A_501 : vector<1x1x16xf32> to vector<16xf32>
      %parallel_loop3A_503 = arith.subf %parallel_loop3A_496, %parallel_loop3A_502 : vector<16xf32>
      %parallel_loop3A_504 = arith.mulf %parallel_loop3A_503, %parallel_loop3A_503 : vector<16xf32>
      %parallel_loop3A_505 = arith.addf %parallel_loop3A_413, %parallel_loop3A_504 : vector<16xf32>
      %parallel_loop3A_506 = arith.constant 0 : i32
      %parallel_loop3A_507 = arith.index_cast %parallel_loop3A_506 : i32 to index
      %parallel_loop3A_508 = arith.index_cast %parallel_loop3A_407 : i32 to index
      %parallel_loop3A_509 = arith.constant 96 : index
      %parallel_loop3A_510 = tpu.vector_load %arg8[%parallel_loop3A_507, %parallel_loop3A_508, %parallel_loop3A_509] {strides = array<i32>} : memref<2x128x128xf32, #tpu.memory_space<vmem>>, vector<1x1x16xf32>,
      %parallel_loop3A_511 = vector.shape_cast %parallel_loop3A_510 : vector<1x1x16xf32> to vector<16xf32>
      %parallel_loop3A_512 = arith.constant 0 : i32
      %parallel_loop3A_513 = arith.index_cast %parallel_loop3A_512 : i32 to index
      %parallel_loop3A_514 = arith.index_cast %parallel_loop3A_407 : i32 to index
      %parallel_loop3A_515 = arith.constant 96 : index
      %parallel_loop3A_516 = tpu.vector_load %arg7[%parallel_loop3A_513, %parallel_loop3A_514, %parallel_loop3A_515] {strides = array<i32>} : memref<5x128x128xf32, #tpu.memory_space<vmem>>, vector<1x1x16xf32>,
      %parallel_loop3A_517 = vector.shape_cast %parallel_loop3A_516 : vector<1x1x16xf32> to vector<16xf32>
      %parallel_loop3A_518 = arith.subf %parallel_loop3A_511, %parallel_loop3A_517 : vector<16xf32>
      %parallel_loop3A_519 = arith.mulf %parallel_loop3A_518, %parallel_loop3A_518 : vector<16xf32>
      %parallel_loop3A_520 = arith.addf %parallel_loop3A_414, %parallel_loop3A_519 : vector<16xf32>
      %parallel_loop3A_521 = arith.constant 0 : i32
      %parallel_loop3A_522 = arith.index_cast %parallel_loop3A_521 : i32 to index
      %parallel_loop3A_523 = arith.index_cast %parallel_loop3A_407 : i32 to index
      %parallel_loop3A_524 = arith.constant 112 : index
      %parallel_loop3A_525 = tpu.vector_load %arg8[%parallel_loop3A_522, %parallel_loop3A_523, %parallel_loop3A_524] {strides = array<i32>} : memref<2x128x128xf32, #tpu.memory_space<vmem>>, vector<1x1x16xf32>,
      %parallel_loop3A_526 = vector.shape_cast %parallel_loop3A_525 : vector<1x1x16xf32> to vector<16xf32>
      %parallel_loop3A_527 = arith.constant 0 : i32
      %parallel_loop3A_528 = arith.index_cast %parallel_loop3A_527 : i32 to index
      %parallel_loop3A_529 = arith.index_cast %parallel_loop3A_407 : i32 to index
      %parallel_loop3A_530 = arith.constant 112 : index
      %parallel_loop3A_531 = tpu.vector_load %arg7[%parallel_loop3A_528, %parallel_loop3A_529, %parallel_loop3A_530] {strides = array<i32>} : memref<5x128x128xf32, #tpu.memory_space<vmem>>, vector<1x1x16xf32>,
      %parallel_loop3A_532 = vector.shape_cast %parallel_loop3A_531 : vector<1x1x16xf32> to vector<16xf32>
      %parallel_loop3A_533 = arith.subf %parallel_loop3A_526, %parallel_loop3A_532 : vector<16xf32>
      %parallel_loop3A_534 = arith.mulf %parallel_loop3A_533, %parallel_loop3A_533 : vector<16xf32>
      %parallel_loop3A_535 = arith.addf %parallel_loop3A_415, %parallel_loop3A_534 : vector<16xf32>
      scf.yield %parallel_loop3A_430, %parallel_loop3A_445, %parallel_loop3A_460, %parallel_loop3A_475, %parallel_loop3A_490, %parallel_loop3A_505, %parallel_loop3A_520, %parallel_loop3A_535 : vector<16xf32>, vector<16xf32>, vector<16xf32>, vector<16xf32>, vector<16xf32>, vector<16xf32>, vector<16xf32>, vector<16xf32>
    } {sc.loop_unroll_factor = 2 : i64, sc.parallel_access}
    %add3A_234 = arith.constant 192 : i32
    %add3A_235 = arith.addi %mul3A_2, %add3A_234 : i32
    %dma_start3A_236 = arith.constant 0 : i32
    %dma_start3A_237 = arith.constant 0 : i32
    %dma_start3A_238 = arith.constant 0 : i32
    %dma_start3A_239 = tpu.memref_slice %arg8[%dma_start3A_236, %dma_start3A_237, %dma_start3A_238] : memref<2x128x128xf32, #tpu.memory_space<vmem>> -> memref<1x128x128xf32, #tpu.memory_space<vmem>>
    %dma_start3A_240 = tpu.memref_squeeze %dma_start3A_239 : memref<1x128x128xf32, #tpu.memory_space<vmem>> -> memref<128x128xf32, #tpu.memory_space<vmem>>
    %dma_start3A_241 = arith.constant 0 : i32
    %dma_start3A_242 = tpu.memref_slice %arg2[%add3A_235, %dma_start3A_241] : memref<16384x128xf32, #tpu.memory_space<hbm>> -> memref<128x128xf32, #tpu.memory_space<hbm>>
    %dma_start3A_243 = arith.constant 0 : i32
    %dma_start3A_244 = arith.constant 0 : i32
    %dma_start3A_245 = tpu.memref_slice %arg8[%dma_start3A_236, %dma_start3A_243, %dma_start3A_244] : memref<2x128x128xf32, #tpu.memory_space<vmem>> -> memref<1x128x128xf32, #tpu.memory_space<vmem>>
    %dma_start3A_246 = tpu.memref_squeeze %dma_start3A_245 : memref<1x128x128xf32, #tpu.memory_space<vmem>> -> memref<128x128xf32, #tpu.memory_space<vmem>>
    %dma_start3A_247 = arith.constant 0 : i32
    %dma_start3A_248 = tpu.memref_slice %arg2[%add3A_235, %dma_start3A_247] : memref<16384x128xf32, #tpu.memory_space<hbm>> -> memref<128x128xf32, #tpu.memory_space<hbm>>
    tpu.enqueue_dma source(%dma_start3A_248 : memref<128x128xf32, #tpu.memory_space<hbm>>) target(%dma_start3A_246 : memref<128x128xf32, #tpu.memory_space<vmem>>) target_semaphore(%arg20 : memref<!tpu.dma_semaphore, #tpu.memory_space<semaphore_mem>>)
    %dma_wait3A_249 = arith.constant 1 : i32
    %dma_wait3A_250 = arith.constant 1 : i32
    %dma_wait3A_251 = arith.constant 0 : i32
    %dma_wait3A_252 = arith.constant 0 : i32
    %dma_wait3A_253 = tpu.memref_slice %arg7[%dma_wait3A_250, %dma_wait3A_251, %dma_wait3A_252] : memref<5x128x128xf32, #tpu.memory_space<vmem>> -> memref<1x128x128xf32, #tpu.memory_space<vmem>>
    %dma_wait3A_254 = tpu.memref_squeeze %dma_wait3A_253 : memref<1x128x128xf32, #tpu.memory_space<vmem>> -> memref<128x128xf32, #tpu.memory_space<vmem>>
    %dma_wait3A_255 = arith.constant 0 : i32
    %dma_wait3A_256 = tpu.memref_slice %arg6[%dma_wait3A_249, %dma_wait3A_255] : memref<5x128xi32, #tpu.memory_space<vmem>> -> memref<1x128xi32, #tpu.memory_space<vmem>>
    %dma_wait3A_257 = tpu.memref_squeeze %dma_wait3A_256 : memref<1x128xi32, #tpu.memory_space<vmem>> -> memref<128xi32, #tpu.memory_space<vmem>>
    %dma_wait3A_258 = arith.constant 0 : i32
    %dma_wait3A_259 = arith.constant 0 : i32
    %dma_wait3A_260 = tpu.memref_slice %arg4[%dma_wait3A_258, %dma_wait3A_259] : memref<100000x128xf32, #tpu.memory_space<hbm>> -> memref<100000x128xf32, #tpu.memory_space<hbm>>
    tpu.wait_indirect_dma semaphore(%arg16 : memref<!tpu.dma_semaphore, #tpu.memory_space<semaphore_mem>>) src(%dma_wait3A_260 : memref<100000x128xf32, #tpu.memory_space<hbm>>) dst(%dma_wait3A_254 : memref<128x128xf32, #tpu.memory_space<vmem>>)
    %dma_wait3A_261 = arith.constant 1 : i32
    %dma_wait3A_262 = arith.constant 0 : i32
    %dma_wait3A_263 = arith.constant 0 : i32
    %dma_wait3A_264 = tpu.memref_slice %arg8[%dma_wait3A_261, %dma_wait3A_262, %dma_wait3A_263] : memref<2x128x128xf32, #tpu.memory_space<vmem>> -> memref<1x128x128xf32, #tpu.memory_space<vmem>>
    %dma_wait3A_265 = tpu.memref_squeeze %dma_wait3A_264 : memref<1x128x128xf32, #tpu.memory_space<vmem>> -> memref<128x128xf32, #tpu.memory_space<vmem>>
    %dma_wait3A_266 = arith.constant 0 : i32
    %dma_wait3A_267 = tpu.memref_slice %arg2[%add3A_114, %dma_wait3A_266] : memref<16384x128xf32, #tpu.memory_space<hbm>> -> memref<128x128xf32, #tpu.memory_space<hbm>>
    %dma_wait3A_268 = arith.constant 0 : i32
    %dma_wait3A_269 = arith.constant 0 : i32
    %dma_wait3A_270 = tpu.memref_slice %arg8[%dma_wait3A_261, %dma_wait3A_268, %dma_wait3A_269] : memref<2x128x128xf32, #tpu.memory_space<vmem>> -> memref<1x128x128xf32, #tpu.memory_space<vmem>>
    %dma_wait3A_271 = tpu.memref_squeeze %dma_wait3A_270 : memref<1x128x128xf32, #tpu.memory_space<vmem>> -> memref<128x128xf32, #tpu.memory_space<vmem>>
    %dma_wait3A_272 = arith.constant 0 : i32
    %dma_wait3A_273 = tpu.memref_slice %arg2[%add3A_114, %dma_wait3A_272] : memref<16384x128xf32, #tpu.memory_space<hbm>> -> memref<128x128xf32, #tpu.memory_space<hbm>>
    tpu.wait_dma2 semaphore(%arg21 : memref<!tpu.dma_semaphore, #tpu.memory_space<semaphore_mem>>) src(%dma_wait3A_273 : memref<128x128xf32, #tpu.memory_space<hbm>>) dst(%dma_wait3A_271 : memref<128x128xf32, #tpu.memory_space<vmem>>)
    %parallel_loop3A_274 = arith.constant 0 : i32
    %parallel_loop3A_275 = arith.constant 128 : i32
    %parallel_loop3A_276 = arith.constant 1 : i32
    %parallel_loop3A_277:8 = scf.for %parallel_loop3A_407 = %parallel_loop3A_274 to %parallel_loop3A_275 step %parallel_loop3A_276 iter_args(%parallel_loop3A_408 = %parallel_loop3A_233#0, %parallel_loop3A_409 = %parallel_loop3A_233#1, %parallel_loop3A_410 = %parallel_loop3A_233#2, %parallel_loop3A_411 = %parallel_loop3A_233#3, %parallel_loop3A_412 = %parallel_loop3A_233#4, %parallel_loop3A_413 = %parallel_loop3A_233#5, %parallel_loop3A_414 = %parallel_loop3A_233#6, %parallel_loop3A_415 = %parallel_loop3A_233#7) -> (vector<16xf32>, vector<16xf32>, vector<16xf32>, vector<16xf32>, vector<16xf32>, vector<16xf32>, vector<16xf32>, vector<16xf32>)  : i32 {
      %parallel_loop3A_416 = arith.constant 1 : i32
      %parallel_loop3A_417 = arith.index_cast %parallel_loop3A_416 : i32 to index
      %parallel_loop3A_418 = arith.index_cast %parallel_loop3A_407 : i32 to index
      %parallel_loop3A_419 = arith.constant 0 : index
      %parallel_loop3A_420 = tpu.vector_load %arg8[%parallel_loop3A_417, %parallel_loop3A_418, %parallel_loop3A_419] {strides = array<i32>} : memref<2x128x128xf32, #tpu.memory_space<vmem>>, vector<1x1x16xf32>,
      %parallel_loop3A_421 = vector.shape_cast %parallel_loop3A_420 : vector<1x1x16xf32> to vector<16xf32>
      %parallel_loop3A_422 = arith.constant 1 : i32
      %parallel_loop3A_423 = arith.index_cast %parallel_loop3A_422 : i32 to index
      %parallel_loop3A_424 = arith.index_cast %parallel_loop3A_407 : i32 to index
      %parallel_loop3A_425 = arith.constant 0 : index
      %parallel_loop3A_426 = tpu.vector_load %arg7[%parallel_loop3A_423, %parallel_loop3A_424, %parallel_loop3A_425] {strides = array<i32>} : memref<5x128x128xf32, #tpu.memory_space<vmem>>, vector<1x1x16xf32>,
      %parallel_loop3A_427 = vector.shape_cast %parallel_loop3A_426 : vector<1x1x16xf32> to vector<16xf32>
      %parallel_loop3A_428 = arith.subf %parallel_loop3A_421, %parallel_loop3A_427 : vector<16xf32>
      %parallel_loop3A_429 = arith.mulf %parallel_loop3A_428, %parallel_loop3A_428 : vector<16xf32>
      %parallel_loop3A_430 = arith.addf %parallel_loop3A_408, %parallel_loop3A_429 : vector<16xf32>
      %parallel_loop3A_431 = arith.constant 1 : i32
      %parallel_loop3A_432 = arith.index_cast %parallel_loop3A_431 : i32 to index
      %parallel_loop3A_433 = arith.index_cast %parallel_loop3A_407 : i32 to index
      %parallel_loop3A_434 = arith.constant 16 : index
      %parallel_loop3A_435 = tpu.vector_load %arg8[%parallel_loop3A_432, %parallel_loop3A_433, %parallel_loop3A_434] {strides = array<i32>} : memref<2x128x128xf32, #tpu.memory_space<vmem>>, vector<1x1x16xf32>,
      %parallel_loop3A_436 = vector.shape_cast %parallel_loop3A_435 : vector<1x1x16xf32> to vector<16xf32>
      %parallel_loop3A_437 = arith.constant 1 : i32
      %parallel_loop3A_438 = arith.index_cast %parallel_loop3A_437 : i32 to index
      %parallel_loop3A_439 = arith.index_cast %parallel_loop3A_407 : i32 to index
      %parallel_loop3A_440 = arith.constant 16 : index
      %parallel_loop3A_441 = tpu.vector_load %arg7[%parallel_loop3A_438, %parallel_loop3A_439, %parallel_loop3A_440] {strides = array<i32>} : memref<5x128x128xf32, #tpu.memory_space<vmem>>, vector<1x1x16xf32>,
      %parallel_loop3A_442 = vector.shape_cast %parallel_loop3A_441 : vector<1x1x16xf32> to vector<16xf32>
      %parallel_loop3A_443 = arith.subf %parallel_loop3A_436, %parallel_loop3A_442 : vector<16xf32>
      %parallel_loop3A_444 = arith.mulf %parallel_loop3A_443, %parallel_loop3A_443 : vector<16xf32>
      %parallel_loop3A_445 = arith.addf %parallel_loop3A_409, %parallel_loop3A_444 : vector<16xf32>
      %parallel_loop3A_446 = arith.constant 1 : i32
      %parallel_loop3A_447 = arith.index_cast %parallel_loop3A_446 : i32 to index
      %parallel_loop3A_448 = arith.index_cast %parallel_loop3A_407 : i32 to index
      %parallel_loop3A_449 = arith.constant 32 : index
      %parallel_loop3A_450 = tpu.vector_load %arg8[%parallel_loop3A_447, %parallel_loop3A_448, %parallel_loop3A_449] {strides = array<i32>} : memref<2x128x128xf32, #tpu.memory_space<vmem>>, vector<1x1x16xf32>,
      %parallel_loop3A_451 = vector.shape_cast %parallel_loop3A_450 : vector<1x1x16xf32> to vector<16xf32>
      %parallel_loop3A_452 = arith.constant 1 : i32
      %parallel_loop3A_453 = arith.index_cast %parallel_loop3A_452 : i32 to index
      %parallel_loop3A_454 = arith.index_cast %parallel_loop3A_407 : i32 to index
      %parallel_loop3A_455 = arith.constant 32 : index
      %parallel_loop3A_456 = tpu.vector_load %arg7[%parallel_loop3A_453, %parallel_loop3A_454, %parallel_loop3A_455] {strides = array<i32>} : memref<5x128x128xf32, #tpu.memory_space<vmem>>, vector<1x1x16xf32>,
      %parallel_loop3A_457 = vector.shape_cast %parallel_loop3A_456 : vector<1x1x16xf32> to vector<16xf32>
      %parallel_loop3A_458 = arith.subf %parallel_loop3A_451, %parallel_loop3A_457 : vector<16xf32>
      %parallel_loop3A_459 = arith.mulf %parallel_loop3A_458, %parallel_loop3A_458 : vector<16xf32>
      %parallel_loop3A_460 = arith.addf %parallel_loop3A_410, %parallel_loop3A_459 : vector<16xf32>
      %parallel_loop3A_461 = arith.constant 1 : i32
      %parallel_loop3A_462 = arith.index_cast %parallel_loop3A_461 : i32 to index
      %parallel_loop3A_463 = arith.index_cast %parallel_loop3A_407 : i32 to index
      %parallel_loop3A_464 = arith.constant 48 : index
      %parallel_loop3A_465 = tpu.vector_load %arg8[%parallel_loop3A_462, %parallel_loop3A_463, %parallel_loop3A_464] {strides = array<i32>} : memref<2x128x128xf32, #tpu.memory_space<vmem>>, vector<1x1x16xf32>,
      %parallel_loop3A_466 = vector.shape_cast %parallel_loop3A_465 : vector<1x1x16xf32> to vector<16xf32>
      %parallel_loop3A_467 = arith.constant 1 : i32
      %parallel_loop3A_468 = arith.index_cast %parallel_loop3A_467 : i32 to index
      %parallel_loop3A_469 = arith.index_cast %parallel_loop3A_407 : i32 to index
      %parallel_loop3A_470 = arith.constant 48 : index
      %parallel_loop3A_471 = tpu.vector_load %arg7[%parallel_loop3A_468, %parallel_loop3A_469, %parallel_loop3A_470] {strides = array<i32>} : memref<5x128x128xf32, #tpu.memory_space<vmem>>, vector<1x1x16xf32>,
      %parallel_loop3A_472 = vector.shape_cast %parallel_loop3A_471 : vector<1x1x16xf32> to vector<16xf32>
      %parallel_loop3A_473 = arith.subf %parallel_loop3A_466, %parallel_loop3A_472 : vector<16xf32>
      %parallel_loop3A_474 = arith.mulf %parallel_loop3A_473, %parallel_loop3A_473 : vector<16xf32>
      %parallel_loop3A_475 = arith.addf %parallel_loop3A_411, %parallel_loop3A_474 : vector<16xf32>
      %parallel_loop3A_476 = arith.constant 1 : i32
      %parallel_loop3A_477 = arith.index_cast %parallel_loop3A_476 : i32 to index
      %parallel_loop3A_478 = arith.index_cast %parallel_loop3A_407 : i32 to index
      %parallel_loop3A_479 = arith.constant 64 : index
      %parallel_loop3A_480 = tpu.vector_load %arg8[%parallel_loop3A_477, %parallel_loop3A_478, %parallel_loop3A_479] {strides = array<i32>} : memref<2x128x128xf32, #tpu.memory_space<vmem>>, vector<1x1x16xf32>,
      %parallel_loop3A_481 = vector.shape_cast %parallel_loop3A_480 : vector<1x1x16xf32> to vector<16xf32>
      %parallel_loop3A_482 = arith.constant 1 : i32
      %parallel_loop3A_483 = arith.index_cast %parallel_loop3A_482 : i32 to index
      %parallel_loop3A_484 = arith.index_cast %parallel_loop3A_407 : i32 to index
      %parallel_loop3A_485 = arith.constant 64 : index
      %parallel_loop3A_486 = tpu.vector_load %arg7[%parallel_loop3A_483, %parallel_loop3A_484, %parallel_loop3A_485] {strides = array<i32>} : memref<5x128x128xf32, #tpu.memory_space<vmem>>, vector<1x1x16xf32>,
      %parallel_loop3A_487 = vector.shape_cast %parallel_loop3A_486 : vector<1x1x16xf32> to vector<16xf32>
      %parallel_loop3A_488 = arith.subf %parallel_loop3A_481, %parallel_loop3A_487 : vector<16xf32>
      %parallel_loop3A_489 = arith.mulf %parallel_loop3A_488, %parallel_loop3A_488 : vector<16xf32>
      %parallel_loop3A_490 = arith.addf %parallel_loop3A_412, %parallel_loop3A_489 : vector<16xf32>
      %parallel_loop3A_491 = arith.constant 1 : i32
      %parallel_loop3A_492 = arith.index_cast %parallel_loop3A_491 : i32 to index
      %parallel_loop3A_493 = arith.index_cast %parallel_loop3A_407 : i32 to index
      %parallel_loop3A_494 = arith.constant 80 : index
      %parallel_loop3A_495 = tpu.vector_load %arg8[%parallel_loop3A_492, %parallel_loop3A_493, %parallel_loop3A_494] {strides = array<i32>} : memref<2x128x128xf32, #tpu.memory_space<vmem>>, vector<1x1x16xf32>,
      %parallel_loop3A_496 = vector.shape_cast %parallel_loop3A_495 : vector<1x1x16xf32> to vector<16xf32>
      %parallel_loop3A_497 = arith.constant 1 : i32
      %parallel_loop3A_498 = arith.index_cast %parallel_loop3A_497 : i32 to index
      %parallel_loop3A_499 = arith.index_cast %parallel_loop3A_407 : i32 to index
      %parallel_loop3A_500 = arith.constant 80 : index
      %parallel_loop3A_501 = tpu.vector_load %arg7[%parallel_loop3A_498, %parallel_loop3A_499, %parallel_loop3A_500] {strides = array<i32>} : memref<5x128x128xf32, #tpu.memory_space<vmem>>, vector<1x1x16xf32>,
      %parallel_loop3A_502 = vector.shape_cast %parallel_loop3A_501 : vector<1x1x16xf32> to vector<16xf32>
      %parallel_loop3A_503 = arith.subf %parallel_loop3A_496, %parallel_loop3A_502 : vector<16xf32>
      %parallel_loop3A_504 = arith.mulf %parallel_loop3A_503, %parallel_loop3A_503 : vector<16xf32>
      %parallel_loop3A_505 = arith.addf %parallel_loop3A_413, %parallel_loop3A_504 : vector<16xf32>
      %parallel_loop3A_506 = arith.constant 1 : i32
      %parallel_loop3A_507 = arith.index_cast %parallel_loop3A_506 : i32 to index
      %parallel_loop3A_508 = arith.index_cast %parallel_loop3A_407 : i32 to index
      %parallel_loop3A_509 = arith.constant 96 : index
      %parallel_loop3A_510 = tpu.vector_load %arg8[%parallel_loop3A_507, %parallel_loop3A_508, %parallel_loop3A_509] {strides = array<i32>} : memref<2x128x128xf32, #tpu.memory_space<vmem>>, vector<1x1x16xf32>,
      %parallel_loop3A_511 = vector.shape_cast %parallel_loop3A_510 : vector<1x1x16xf32> to vector<16xf32>
      %parallel_loop3A_512 = arith.constant 1 : i32
      %parallel_loop3A_513 = arith.index_cast %parallel_loop3A_512 : i32 to index
      %parallel_loop3A_514 = arith.index_cast %parallel_loop3A_407 : i32 to index
      %parallel_loop3A_515 = arith.constant 96 : index
      %parallel_loop3A_516 = tpu.vector_load %arg7[%parallel_loop3A_513, %parallel_loop3A_514, %parallel_loop3A_515] {strides = array<i32>} : memref<5x128x128xf32, #tpu.memory_space<vmem>>, vector<1x1x16xf32>,
      %parallel_loop3A_517 = vector.shape_cast %parallel_loop3A_516 : vector<1x1x16xf32> to vector<16xf32>
      %parallel_loop3A_518 = arith.subf %parallel_loop3A_511, %parallel_loop3A_517 : vector<16xf32>
      %parallel_loop3A_519 = arith.mulf %parallel_loop3A_518, %parallel_loop3A_518 : vector<16xf32>
      %parallel_loop3A_520 = arith.addf %parallel_loop3A_414, %parallel_loop3A_519 : vector<16xf32>
      %parallel_loop3A_521 = arith.constant 1 : i32
      %parallel_loop3A_522 = arith.index_cast %parallel_loop3A_521 : i32 to index
      %parallel_loop3A_523 = arith.index_cast %parallel_loop3A_407 : i32 to index
      %parallel_loop3A_524 = arith.constant 112 : index
      %parallel_loop3A_525 = tpu.vector_load %arg8[%parallel_loop3A_522, %parallel_loop3A_523, %parallel_loop3A_524] {strides = array<i32>} : memref<2x128x128xf32, #tpu.memory_space<vmem>>, vector<1x1x16xf32>,
      %parallel_loop3A_526 = vector.shape_cast %parallel_loop3A_525 : vector<1x1x16xf32> to vector<16xf32>
      %parallel_loop3A_527 = arith.constant 1 : i32
      %parallel_loop3A_528 = arith.index_cast %parallel_loop3A_527 : i32 to index
      %parallel_loop3A_529 = arith.index_cast %parallel_loop3A_407 : i32 to index
      %parallel_loop3A_530 = arith.constant 112 : index
      %parallel_loop3A_531 = tpu.vector_load %arg7[%parallel_loop3A_528, %parallel_loop3A_529, %parallel_loop3A_530] {strides = array<i32>} : memref<5x128x128xf32, #tpu.memory_space<vmem>>, vector<1x1x16xf32>,
      %parallel_loop3A_532 = vector.shape_cast %parallel_loop3A_531 : vector<1x1x16xf32> to vector<16xf32>
      %parallel_loop3A_533 = arith.subf %parallel_loop3A_526, %parallel_loop3A_532 : vector<16xf32>
      %parallel_loop3A_534 = arith.mulf %parallel_loop3A_533, %parallel_loop3A_533 : vector<16xf32>
      %parallel_loop3A_535 = arith.addf %parallel_loop3A_415, %parallel_loop3A_534 : vector<16xf32>
      scf.yield %parallel_loop3A_430, %parallel_loop3A_445, %parallel_loop3A_460, %parallel_loop3A_475, %parallel_loop3A_490, %parallel_loop3A_505, %parallel_loop3A_520, %parallel_loop3A_535 : vector<16xf32>, vector<16xf32>, vector<16xf32>, vector<16xf32>, vector<16xf32>, vector<16xf32>, vector<16xf32>, vector<16xf32>
    } {sc.loop_unroll_factor = 2 : i64, sc.parallel_access}
    %add3A_278 = arith.constant 320 : i32
    %add3A_279 = arith.addi %mul3A_2, %add3A_278 : i32
    %dma_start3A_280 = arith.constant 1 : i32
    %dma_start3A_281 = arith.constant 0 : i32
    %dma_start3A_282 = arith.constant 0 : i32
    %dma_start3A_283 = tpu.memref_slice %arg8[%dma_start3A_280, %dma_start3A_281, %dma_start3A_282] : memref<2x128x128xf32, #tpu.memory_space<vmem>> -> memref<1x128x128xf32, #tpu.memory_space<vmem>>
    %dma_start3A_284 = tpu.memref_squeeze %dma_start3A_283 : memref<1x128x128xf32, #tpu.memory_space<vmem>> -> memref<128x128xf32, #tpu.memory_space<vmem>>
    %dma_start3A_285 = arith.constant 0 : i32
    %dma_start3A_286 = tpu.memref_slice %arg2[%add3A_279, %dma_start3A_285] : memref<16384x128xf32, #tpu.memory_space<hbm>> -> memref<128x128xf32, #tpu.memory_space<hbm>>
    %dma_start3A_287 = arith.constant 0 : i32
    %dma_start3A_288 = arith.constant 0 : i32
    %dma_start3A_289 = tpu.memref_slice %arg8[%dma_start3A_280, %dma_start3A_287, %dma_start3A_288] : memref<2x128x128xf32, #tpu.memory_space<vmem>> -> memref<1x128x128xf32, #tpu.memory_space<vmem>>
    %dma_start3A_290 = tpu.memref_squeeze %dma_start3A_289 : memref<1x128x128xf32, #tpu.memory_space<vmem>> -> memref<128x128xf32, #tpu.memory_space<vmem>>
    %dma_start3A_291 = arith.constant 0 : i32
    %dma_start3A_292 = tpu.memref_slice %arg2[%add3A_279, %dma_start3A_291] : memref<16384x128xf32, #tpu.memory_space<hbm>> -> memref<128x128xf32, #tpu.memory_space<hbm>>
    tpu.enqueue_dma source(%dma_start3A_292 : memref<128x128xf32, #tpu.memory_space<hbm>>) target(%dma_start3A_290 : memref<128x128xf32, #tpu.memory_space<vmem>>) target_semaphore(%arg21 : memref<!tpu.dma_semaphore, #tpu.memory_space<semaphore_mem>>)
    %dma_wait3A_293 = arith.constant 2 : i32
    %dma_wait3A_294 = arith.constant 2 : i32
    %dma_wait3A_295 = arith.constant 0 : i32
    %dma_wait3A_296 = arith.constant 0 : i32
    %dma_wait3A_297 = tpu.memref_slice %arg7[%dma_wait3A_294, %dma_wait3A_295, %dma_wait3A_296] : memref<5x128x128xf32, #tpu.memory_space<vmem>> -> memref<1x128x128xf32, #tpu.memory_space<vmem>>
    %dma_wait3A_298 = tpu.memref_squeeze %dma_wait3A_297 : memref<1x128x128xf32, #tpu.memory_space<vmem>> -> memref<128x128xf32, #tpu.memory_space<vmem>>
    %dma_wait3A_299 = arith.constant 0 : i32
    %dma_wait3A_300 = tpu.memref_slice %arg6[%dma_wait3A_293, %dma_wait3A_299] : memref<5x128xi32, #tpu.memory_space<vmem>> -> memref<1x128xi32, #tpu.memory_space<vmem>>
    %dma_wait3A_301 = tpu.memref_squeeze %dma_wait3A_300 : memref<1x128xi32, #tpu.memory_space<vmem>> -> memref<128xi32, #tpu.memory_space<vmem>>
    %dma_wait3A_302 = arith.constant 0 : i32
    %dma_wait3A_303 = arith.constant 0 : i32
    %dma_wait3A_304 = tpu.memref_slice %arg4[%dma_wait3A_302, %dma_wait3A_303] : memref<100000x128xf32, #tpu.memory_space<hbm>> -> memref<100000x128xf32, #tpu.memory_space<hbm>>
    tpu.wait_indirect_dma semaphore(%arg17 : memref<!tpu.dma_semaphore, #tpu.memory_space<semaphore_mem>>) src(%dma_wait3A_304 : memref<100000x128xf32, #tpu.memory_space<hbm>>) dst(%dma_wait3A_298 : memref<128x128xf32, #tpu.memory_space<vmem>>)
    %dma_wait3A_305 = arith.constant 0 : i32
    %dma_wait3A_306 = arith.constant 0 : i32
    %dma_wait3A_307 = arith.constant 0 : i32
    %dma_wait3A_308 = tpu.memref_slice %arg8[%dma_wait3A_305, %dma_wait3A_306, %dma_wait3A_307] : memref<2x128x128xf32, #tpu.memory_space<vmem>> -> memref<1x128x128xf32, #tpu.memory_space<vmem>>
    %dma_wait3A_309 = tpu.memref_squeeze %dma_wait3A_308 : memref<1x128x128xf32, #tpu.memory_space<vmem>> -> memref<128x128xf32, #tpu.memory_space<vmem>>
    %dma_wait3A_310 = arith.constant 0 : i32
    %dma_wait3A_311 = tpu.memref_slice %arg2[%add3A_235, %dma_wait3A_310] : memref<16384x128xf32, #tpu.memory_space<hbm>> -> memref<128x128xf32, #tpu.memory_space<hbm>>
    %dma_wait3A_312 = arith.constant 0 : i32
    %dma_wait3A_313 = arith.constant 0 : i32
    %dma_wait3A_314 = tpu.memref_slice %arg8[%dma_wait3A_305, %dma_wait3A_312, %dma_wait3A_313] : memref<2x128x128xf32, #tpu.memory_space<vmem>> -> memref<1x128x128xf32, #tpu.memory_space<vmem>>
    %dma_wait3A_315 = tpu.memref_squeeze %dma_wait3A_314 : memref<1x128x128xf32, #tpu.memory_space<vmem>> -> memref<128x128xf32, #tpu.memory_space<vmem>>
    %dma_wait3A_316 = arith.constant 0 : i32
    %dma_wait3A_317 = tpu.memref_slice %arg2[%add3A_235, %dma_wait3A_316] : memref<16384x128xf32, #tpu.memory_space<hbm>> -> memref<128x128xf32, #tpu.memory_space<hbm>>
    tpu.wait_dma2 semaphore(%arg20 : memref<!tpu.dma_semaphore, #tpu.memory_space<semaphore_mem>>) src(%dma_wait3A_317 : memref<128x128xf32, #tpu.memory_space<hbm>>) dst(%dma_wait3A_315 : memref<128x128xf32, #tpu.memory_space<vmem>>)
    %parallel_loop3A_318 = arith.constant 0 : i32
    %parallel_loop3A_319 = arith.constant 128 : i32
    %parallel_loop3A_320 = arith.constant 1 : i32
    %parallel_loop3A_321:8 = scf.for %parallel_loop3A_407 = %parallel_loop3A_318 to %parallel_loop3A_319 step %parallel_loop3A_320 iter_args(%parallel_loop3A_408 = %parallel_loop3A_277#0, %parallel_loop3A_409 = %parallel_loop3A_277#1, %parallel_loop3A_410 = %parallel_loop3A_277#2, %parallel_loop3A_411 = %parallel_loop3A_277#3, %parallel_loop3A_412 = %parallel_loop3A_277#4, %parallel_loop3A_413 = %parallel_loop3A_277#5, %parallel_loop3A_414 = %parallel_loop3A_277#6, %parallel_loop3A_415 = %parallel_loop3A_277#7) -> (vector<16xf32>, vector<16xf32>, vector<16xf32>, vector<16xf32>, vector<16xf32>, vector<16xf32>, vector<16xf32>, vector<16xf32>)  : i32 {
      %parallel_loop3A_416 = arith.constant 0 : i32
      %parallel_loop3A_417 = arith.index_cast %parallel_loop3A_416 : i32 to index
      %parallel_loop3A_418 = arith.index_cast %parallel_loop3A_407 : i32 to index
      %parallel_loop3A_419 = arith.constant 0 : index
      %parallel_loop3A_420 = tpu.vector_load %arg8[%parallel_loop3A_417, %parallel_loop3A_418, %parallel_loop3A_419] {strides = array<i32>} : memref<2x128x128xf32, #tpu.memory_space<vmem>>, vector<1x1x16xf32>,
      %parallel_loop3A_421 = vector.shape_cast %parallel_loop3A_420 : vector<1x1x16xf32> to vector<16xf32>
      %parallel_loop3A_422 = arith.constant 2 : i32
      %parallel_loop3A_423 = arith.index_cast %parallel_loop3A_422 : i32 to index
      %parallel_loop3A_424 = arith.index_cast %parallel_loop3A_407 : i32 to index
      %parallel_loop3A_425 = arith.constant 0 : index
      %parallel_loop3A_426 = tpu.vector_load %arg7[%parallel_loop3A_423, %parallel_loop3A_424, %parallel_loop3A_425] {strides = array<i32>} : memref<5x128x128xf32, #tpu.memory_space<vmem>>, vector<1x1x16xf32>,
      %parallel_loop3A_427 = vector.shape_cast %parallel_loop3A_426 : vector<1x1x16xf32> to vector<16xf32>
      %parallel_loop3A_428 = arith.subf %parallel_loop3A_421, %parallel_loop3A_427 : vector<16xf32>
      %parallel_loop3A_429 = arith.mulf %parallel_loop3A_428, %parallel_loop3A_428 : vector<16xf32>
      %parallel_loop3A_430 = arith.addf %parallel_loop3A_408, %parallel_loop3A_429 : vector<16xf32>
      %parallel_loop3A_431 = arith.constant 0 : i32
      %parallel_loop3A_432 = arith.index_cast %parallel_loop3A_431 : i32 to index
      %parallel_loop3A_433 = arith.index_cast %parallel_loop3A_407 : i32 to index
      %parallel_loop3A_434 = arith.constant 16 : index
      %parallel_loop3A_435 = tpu.vector_load %arg8[%parallel_loop3A_432, %parallel_loop3A_433, %parallel_loop3A_434] {strides = array<i32>} : memref<2x128x128xf32, #tpu.memory_space<vmem>>, vector<1x1x16xf32>,
      %parallel_loop3A_436 = vector.shape_cast %parallel_loop3A_435 : vector<1x1x16xf32> to vector<16xf32>
      %parallel_loop3A_437 = arith.constant 2 : i32
      %parallel_loop3A_438 = arith.index_cast %parallel_loop3A_437 : i32 to index
      %parallel_loop3A_439 = arith.index_cast %parallel_loop3A_407 : i32 to index
      %parallel_loop3A_440 = arith.constant 16 : index
      %parallel_loop3A_441 = tpu.vector_load %arg7[%parallel_loop3A_438, %parallel_loop3A_439, %parallel_loop3A_440] {strides = array<i32>} : memref<5x128x128xf32, #tpu.memory_space<vmem>>, vector<1x1x16xf32>,
      %parallel_loop3A_442 = vector.shape_cast %parallel_loop3A_441 : vector<1x1x16xf32> to vector<16xf32>
      %parallel_loop3A_443 = arith.subf %parallel_loop3A_436, %parallel_loop3A_442 : vector<16xf32>
      %parallel_loop3A_444 = arith.mulf %parallel_loop3A_443, %parallel_loop3A_443 : vector<16xf32>
      %parallel_loop3A_445 = arith.addf %parallel_loop3A_409, %parallel_loop3A_444 : vector<16xf32>
      %parallel_loop3A_446 = arith.constant 0 : i32
      %parallel_loop3A_447 = arith.index_cast %parallel_loop3A_446 : i32 to index
      %parallel_loop3A_448 = arith.index_cast %parallel_loop3A_407 : i32 to index
      %parallel_loop3A_449 = arith.constant 32 : index
      %parallel_loop3A_450 = tpu.vector_load %arg8[%parallel_loop3A_447, %parallel_loop3A_448, %parallel_loop3A_449] {strides = array<i32>} : memref<2x128x128xf32, #tpu.memory_space<vmem>>, vector<1x1x16xf32>,
      %parallel_loop3A_451 = vector.shape_cast %parallel_loop3A_450 : vector<1x1x16xf32> to vector<16xf32>
      %parallel_loop3A_452 = arith.constant 2 : i32
      %parallel_loop3A_453 = arith.index_cast %parallel_loop3A_452 : i32 to index
      %parallel_loop3A_454 = arith.index_cast %parallel_loop3A_407 : i32 to index
      %parallel_loop3A_455 = arith.constant 32 : index
      %parallel_loop3A_456 = tpu.vector_load %arg7[%parallel_loop3A_453, %parallel_loop3A_454, %parallel_loop3A_455] {strides = array<i32>} : memref<5x128x128xf32, #tpu.memory_space<vmem>>, vector<1x1x16xf32>,
      %parallel_loop3A_457 = vector.shape_cast %parallel_loop3A_456 : vector<1x1x16xf32> to vector<16xf32>
      %parallel_loop3A_458 = arith.subf %parallel_loop3A_451, %parallel_loop3A_457 : vector<16xf32>
      %parallel_loop3A_459 = arith.mulf %parallel_loop3A_458, %parallel_loop3A_458 : vector<16xf32>
      %parallel_loop3A_460 = arith.addf %parallel_loop3A_410, %parallel_loop3A_459 : vector<16xf32>
      %parallel_loop3A_461 = arith.constant 0 : i32
      %parallel_loop3A_462 = arith.index_cast %parallel_loop3A_461 : i32 to index
      %parallel_loop3A_463 = arith.index_cast %parallel_loop3A_407 : i32 to index
      %parallel_loop3A_464 = arith.constant 48 : index
      %parallel_loop3A_465 = tpu.vector_load %arg8[%parallel_loop3A_462, %parallel_loop3A_463, %parallel_loop3A_464] {strides = array<i32>} : memref<2x128x128xf32, #tpu.memory_space<vmem>>, vector<1x1x16xf32>,
      %parallel_loop3A_466 = vector.shape_cast %parallel_loop3A_465 : vector<1x1x16xf32> to vector<16xf32>
      %parallel_loop3A_467 = arith.constant 2 : i32
      %parallel_loop3A_468 = arith.index_cast %parallel_loop3A_467 : i32 to index
      %parallel_loop3A_469 = arith.index_cast %parallel_loop3A_407 : i32 to index
      %parallel_loop3A_470 = arith.constant 48 : index
      %parallel_loop3A_471 = tpu.vector_load %arg7[%parallel_loop3A_468, %parallel_loop3A_469, %parallel_loop3A_470] {strides = array<i32>} : memref<5x128x128xf32, #tpu.memory_space<vmem>>, vector<1x1x16xf32>,
      %parallel_loop3A_472 = vector.shape_cast %parallel_loop3A_471 : vector<1x1x16xf32> to vector<16xf32>
      %parallel_loop3A_473 = arith.subf %parallel_loop3A_466, %parallel_loop3A_472 : vector<16xf32>
      %parallel_loop3A_474 = arith.mulf %parallel_loop3A_473, %parallel_loop3A_473 : vector<16xf32>
      %parallel_loop3A_475 = arith.addf %parallel_loop3A_411, %parallel_loop3A_474 : vector<16xf32>
      %parallel_loop3A_476 = arith.constant 0 : i32
      %parallel_loop3A_477 = arith.index_cast %parallel_loop3A_476 : i32 to index
      %parallel_loop3A_478 = arith.index_cast %parallel_loop3A_407 : i32 to index
      %parallel_loop3A_479 = arith.constant 64 : index
      %parallel_loop3A_480 = tpu.vector_load %arg8[%parallel_loop3A_477, %parallel_loop3A_478, %parallel_loop3A_479] {strides = array<i32>} : memref<2x128x128xf32, #tpu.memory_space<vmem>>, vector<1x1x16xf32>,
      %parallel_loop3A_481 = vector.shape_cast %parallel_loop3A_480 : vector<1x1x16xf32> to vector<16xf32>
      %parallel_loop3A_482 = arith.constant 2 : i32
      %parallel_loop3A_483 = arith.index_cast %parallel_loop3A_482 : i32 to index
      %parallel_loop3A_484 = arith.index_cast %parallel_loop3A_407 : i32 to index
      %parallel_loop3A_485 = arith.constant 64 : index
      %parallel_loop3A_486 = tpu.vector_load %arg7[%parallel_loop3A_483, %parallel_loop3A_484, %parallel_loop3A_485] {strides = array<i32>} : memref<5x128x128xf32, #tpu.memory_space<vmem>>, vector<1x1x16xf32>,
      %parallel_loop3A_487 = vector.shape_cast %parallel_loop3A_486 : vector<1x1x16xf32> to vector<16xf32>
      %parallel_loop3A_488 = arith.subf %parallel_loop3A_481, %parallel_loop3A_487 : vector<16xf32>
      %parallel_loop3A_489 = arith.mulf %parallel_loop3A_488, %parallel_loop3A_488 : vector<16xf32>
      %parallel_loop3A_490 = arith.addf %parallel_loop3A_412, %parallel_loop3A_489 : vector<16xf32>
      %parallel_loop3A_491 = arith.constant 0 : i32
      %parallel_loop3A_492 = arith.index_cast %parallel_loop3A_491 : i32 to index
      %parallel_loop3A_493 = arith.index_cast %parallel_loop3A_407 : i32 to index
      %parallel_loop3A_494 = arith.constant 80 : index
      %parallel_loop3A_495 = tpu.vector_load %arg8[%parallel_loop3A_492, %parallel_loop3A_493, %parallel_loop3A_494] {strides = array<i32>} : memref<2x128x128xf32, #tpu.memory_space<vmem>>, vector<1x1x16xf32>,
      %parallel_loop3A_496 = vector.shape_cast %parallel_loop3A_495 : vector<1x1x16xf32> to vector<16xf32>
      %parallel_loop3A_497 = arith.constant 2 : i32
      %parallel_loop3A_498 = arith.index_cast %parallel_loop3A_497 : i32 to index
      %parallel_loop3A_499 = arith.index_cast %parallel_loop3A_407 : i32 to index
      %parallel_loop3A_500 = arith.constant 80 : index
      %parallel_loop3A_501 = tpu.vector_load %arg7[%parallel_loop3A_498, %parallel_loop3A_499, %parallel_loop3A_500] {strides = array<i32>} : memref<5x128x128xf32, #tpu.memory_space<vmem>>, vector<1x1x16xf32>,
      %parallel_loop3A_502 = vector.shape_cast %parallel_loop3A_501 : vector<1x1x16xf32> to vector<16xf32>
      %parallel_loop3A_503 = arith.subf %parallel_loop3A_496, %parallel_loop3A_502 : vector<16xf32>
      %parallel_loop3A_504 = arith.mulf %parallel_loop3A_503, %parallel_loop3A_503 : vector<16xf32>
      %parallel_loop3A_505 = arith.addf %parallel_loop3A_413, %parallel_loop3A_504 : vector<16xf32>
      %parallel_loop3A_506 = arith.constant 0 : i32
      %parallel_loop3A_507 = arith.index_cast %parallel_loop3A_506 : i32 to index
      %parallel_loop3A_508 = arith.index_cast %parallel_loop3A_407 : i32 to index
      %parallel_loop3A_509 = arith.constant 96 : index
      %parallel_loop3A_510 = tpu.vector_load %arg8[%parallel_loop3A_507, %parallel_loop3A_508, %parallel_loop3A_509] {strides = array<i32>} : memref<2x128x128xf32, #tpu.memory_space<vmem>>, vector<1x1x16xf32>,
      %parallel_loop3A_511 = vector.shape_cast %parallel_loop3A_510 : vector<1x1x16xf32> to vector<16xf32>
      %parallel_loop3A_512 = arith.constant 2 : i32
      %parallel_loop3A_513 = arith.index_cast %parallel_loop3A_512 : i32 to index
      %parallel_loop3A_514 = arith.index_cast %parallel_loop3A_407 : i32 to index
      %parallel_loop3A_515 = arith.constant 96 : index
      %parallel_loop3A_516 = tpu.vector_load %arg7[%parallel_loop3A_513, %parallel_loop3A_514, %parallel_loop3A_515] {strides = array<i32>} : memref<5x128x128xf32, #tpu.memory_space<vmem>>, vector<1x1x16xf32>,
      %parallel_loop3A_517 = vector.shape_cast %parallel_loop3A_516 : vector<1x1x16xf32> to vector<16xf32>
      %parallel_loop3A_518 = arith.subf %parallel_loop3A_511, %parallel_loop3A_517 : vector<16xf32>
      %parallel_loop3A_519 = arith.mulf %parallel_loop3A_518, %parallel_loop3A_518 : vector<16xf32>
      %parallel_loop3A_520 = arith.addf %parallel_loop3A_414, %parallel_loop3A_519 : vector<16xf32>
      %parallel_loop3A_521 = arith.constant 0 : i32
      %parallel_loop3A_522 = arith.index_cast %parallel_loop3A_521 : i32 to index
      %parallel_loop3A_523 = arith.index_cast %parallel_loop3A_407 : i32 to index
      %parallel_loop3A_524 = arith.constant 112 : index
      %parallel_loop3A_525 = tpu.vector_load %arg8[%parallel_loop3A_522, %parallel_loop3A_523, %parallel_loop3A_524] {strides = array<i32>} : memref<2x128x128xf32, #tpu.memory_space<vmem>>, vector<1x1x16xf32>,
      %parallel_loop3A_526 = vector.shape_cast %parallel_loop3A_525 : vector<1x1x16xf32> to vector<16xf32>
      %parallel_loop3A_527 = arith.constant 2 : i32
      %parallel_loop3A_528 = arith.index_cast %parallel_loop3A_527 : i32 to index
      %parallel_loop3A_529 = arith.index_cast %parallel_loop3A_407 : i32 to index
      %parallel_loop3A_530 = arith.constant 112 : index
      %parallel_loop3A_531 = tpu.vector_load %arg7[%parallel_loop3A_528, %parallel_loop3A_529, %parallel_loop3A_530] {strides = array<i32>} : memref<5x128x128xf32, #tpu.memory_space<vmem>>, vector<1x1x16xf32>,
      %parallel_loop3A_532 = vector.shape_cast %parallel_loop3A_531 : vector<1x1x16xf32> to vector<16xf32>
      %parallel_loop3A_533 = arith.subf %parallel_loop3A_526, %parallel_loop3A_532 : vector<16xf32>
      %parallel_loop3A_534 = arith.mulf %parallel_loop3A_533, %parallel_loop3A_533 : vector<16xf32>
      %parallel_loop3A_535 = arith.addf %parallel_loop3A_415, %parallel_loop3A_534 : vector<16xf32>
      scf.yield %parallel_loop3A_430, %parallel_loop3A_445, %parallel_loop3A_460, %parallel_loop3A_475, %parallel_loop3A_490, %parallel_loop3A_505, %parallel_loop3A_520, %parallel_loop3A_535 : vector<16xf32>, vector<16xf32>, vector<16xf32>, vector<16xf32>, vector<16xf32>, vector<16xf32>, vector<16xf32>, vector<16xf32>
    } {sc.loop_unroll_factor = 2 : i64, sc.parallel_access}
    %add3A_322 = arith.constant 448 : i32
    %add3A_323 = arith.addi %mul3A_2, %add3A_322 : i32
    %dma_start3A_324 = arith.constant 0 : i32
    %dma_start3A_325 = arith.constant 0 : i32
    %dma_start3A_326 = arith.constant 0 : i32
    %dma_start3A_327 = tpu.memref_slice %arg8[%dma_start3A_324, %dma_start3A_325, %dma_start3A_326] : memref<2x128x128xf32, #tpu.memory_space<vmem>> -> memref<1x64x128xf32, #tpu.memory_space<vmem>>
    %dma_start3A_328 = tpu.memref_squeeze %dma_start3A_327 : memref<1x64x128xf32, #tpu.memory_space<vmem>> -> memref<64x128xf32, #tpu.memory_space<vmem>>
    %dma_start3A_329 = arith.constant 0 : i32
    %dma_start3A_330 = tpu.memref_slice %arg2[%add3A_323, %dma_start3A_329] : memref<16384x128xf32, #tpu.memory_space<hbm>> -> memref<64x128xf32, #tpu.memory_space<hbm>>
    %dma_start3A_331 = arith.constant 0 : i32
    %dma_start3A_332 = arith.constant 0 : i32
    %dma_start3A_333 = tpu.memref_slice %arg8[%dma_start3A_324, %dma_start3A_331, %dma_start3A_332] : memref<2x128x128xf32, #tpu.memory_space<vmem>> -> memref<1x64x128xf32, #tpu.memory_space<vmem>>
    %dma_start3A_334 = tpu.memref_squeeze %dma_start3A_333 : memref<1x64x128xf32, #tpu.memory_space<vmem>> -> memref<64x128xf32, #tpu.memory_space<vmem>>
    %dma_start3A_335 = arith.constant 0 : i32
    %dma_start3A_336 = tpu.memref_slice %arg2[%add3A_323, %dma_start3A_335] : memref<16384x128xf32, #tpu.memory_space<hbm>> -> memref<64x128xf32, #tpu.memory_space<hbm>>
    tpu.enqueue_dma source(%dma_start3A_336 : memref<64x128xf32, #tpu.memory_space<hbm>>) target(%dma_start3A_334 : memref<64x128xf32, #tpu.memory_space<vmem>>) target_semaphore(%arg20 : memref<!tpu.dma_semaphore, #tpu.memory_space<semaphore_mem>>)
    %dma_wait3A_337 = arith.constant 3 : i32
    %dma_wait3A_338 = arith.constant 3 : i32
    %dma_wait3A_339 = arith.constant 0 : i32
    %dma_wait3A_340 = arith.constant 0 : i32
    %dma_wait3A_341 = tpu.memref_slice %arg7[%dma_wait3A_338, %dma_wait3A_339, %dma_wait3A_340] : memref<5x128x128xf32, #tpu.memory_space<vmem>> -> memref<1x128x128xf32, #tpu.memory_space<vmem>>
    %dma_wait3A_342 = tpu.memref_squeeze %dma_wait3A_341 : memref<1x128x128xf32, #tpu.memory_space<vmem>> -> memref<128x128xf32, #tpu.memory_space<vmem>>
    %dma_wait3A_343 = arith.constant 0 : i32
    %dma_wait3A_344 = tpu.memref_slice %arg6[%dma_wait3A_337, %dma_wait3A_343] : memref<5x128xi32, #tpu.memory_space<vmem>> -> memref<1x128xi32, #tpu.memory_space<vmem>>
    %dma_wait3A_345 = tpu.memref_squeeze %dma_wait3A_344 : memref<1x128xi32, #tpu.memory_space<vmem>> -> memref<128xi32, #tpu.memory_space<vmem>>
    %dma_wait3A_346 = arith.constant 0 : i32
    %dma_wait3A_347 = arith.constant 0 : i32
    %dma_wait3A_348 = tpu.memref_slice %arg4[%dma_wait3A_346, %dma_wait3A_347] : memref<100000x128xf32, #tpu.memory_space<hbm>> -> memref<100000x128xf32, #tpu.memory_space<hbm>>
    tpu.wait_indirect_dma semaphore(%arg18 : memref<!tpu.dma_semaphore, #tpu.memory_space<semaphore_mem>>) src(%dma_wait3A_348 : memref<100000x128xf32, #tpu.memory_space<hbm>>) dst(%dma_wait3A_342 : memref<128x128xf32, #tpu.memory_space<vmem>>)
    %dma_wait3A_349 = arith.constant 1 : i32
    %dma_wait3A_350 = arith.constant 0 : i32
    %dma_wait3A_351 = arith.constant 0 : i32
    %dma_wait3A_352 = tpu.memref_slice %arg8[%dma_wait3A_349, %dma_wait3A_350, %dma_wait3A_351] : memref<2x128x128xf32, #tpu.memory_space<vmem>> -> memref<1x128x128xf32, #tpu.memory_space<vmem>>
    %dma_wait3A_353 = tpu.memref_squeeze %dma_wait3A_352 : memref<1x128x128xf32, #tpu.memory_space<vmem>> -> memref<128x128xf32, #tpu.memory_space<vmem>>
    %dma_wait3A_354 = arith.constant 0 : i32
    %dma_wait3A_355 = tpu.memref_slice %arg2[%add3A_279, %dma_wait3A_354] : memref<16384x128xf32, #tpu.memory_space<hbm>> -> memref<128x128xf32, #tpu.memory_space<hbm>>
    %dma_wait3A_356 = arith.constant 0 : i32
    %dma_wait3A_357 = arith.constant 0 : i32
    %dma_wait3A_358 = tpu.memref_slice %arg8[%dma_wait3A_349, %dma_wait3A_356, %dma_wait3A_357] : memref<2x128x128xf32, #tpu.memory_space<vmem>> -> memref<1x128x128xf32, #tpu.memory_space<vmem>>
    %dma_wait3A_359 = tpu.memref_squeeze %dma_wait3A_358 : memref<1x128x128xf32, #tpu.memory_space<vmem>> -> memref<128x128xf32, #tpu.memory_space<vmem>>
    %dma_wait3A_360 = arith.constant 0 : i32
    %dma_wait3A_361 = tpu.memref_slice %arg2[%add3A_279, %dma_wait3A_360] : memref<16384x128xf32, #tpu.memory_space<hbm>> -> memref<128x128xf32, #tpu.memory_space<hbm>>
    tpu.wait_dma2 semaphore(%arg21 : memref<!tpu.dma_semaphore, #tpu.memory_space<semaphore_mem>>) src(%dma_wait3A_361 : memref<128x128xf32, #tpu.memory_space<hbm>>) dst(%dma_wait3A_359 : memref<128x128xf32, #tpu.memory_space<vmem>>)
    %parallel_loop3A_362 = arith.constant 0 : i32
    %parallel_loop3A_363 = arith.constant 128 : i32
    %parallel_loop3A_364 = arith.constant 1 : i32
    %parallel_loop3A_365:8 = scf.for %parallel_loop3A_407 = %parallel_loop3A_362 to %parallel_loop3A_363 step %parallel_loop3A_364 iter_args(%parallel_loop3A_408 = %parallel_loop3A_321#0, %parallel_loop3A_409 = %parallel_loop3A_321#1, %parallel_loop3A_410 = %parallel_loop3A_321#2, %parallel_loop3A_411 = %parallel_loop3A_321#3, %parallel_loop3A_412 = %parallel_loop3A_321#4, %parallel_loop3A_413 = %parallel_loop3A_321#5, %parallel_loop3A_414 = %parallel_loop3A_321#6, %parallel_loop3A_415 = %parallel_loop3A_321#7) -> (vector<16xf32>, vector<16xf32>, vector<16xf32>, vector<16xf32>, vector<16xf32>, vector<16xf32>, vector<16xf32>, vector<16xf32>)  : i32 {
      %parallel_loop3A_416 = arith.constant 1 : i32
      %parallel_loop3A_417 = arith.index_cast %parallel_loop3A_416 : i32 to index
      %parallel_loop3A_418 = arith.index_cast %parallel_loop3A_407 : i32 to index
      %parallel_loop3A_419 = arith.constant 0 : index
      %parallel_loop3A_420 = tpu.vector_load %arg8[%parallel_loop3A_417, %parallel_loop3A_418, %parallel_loop3A_419] {strides = array<i32>} : memref<2x128x128xf32, #tpu.memory_space<vmem>>, vector<1x1x16xf32>,
      %parallel_loop3A_421 = vector.shape_cast %parallel_loop3A_420 : vector<1x1x16xf32> to vector<16xf32>
      %parallel_loop3A_422 = arith.constant 3 : i32
      %parallel_loop3A_423 = arith.index_cast %parallel_loop3A_422 : i32 to index
      %parallel_loop3A_424 = arith.index_cast %parallel_loop3A_407 : i32 to index
      %parallel_loop3A_425 = arith.constant 0 : index
      %parallel_loop3A_426 = tpu.vector_load %arg7[%parallel_loop3A_423, %parallel_loop3A_424, %parallel_loop3A_425] {strides = array<i32>} : memref<5x128x128xf32, #tpu.memory_space<vmem>>, vector<1x1x16xf32>,
      %parallel_loop3A_427 = vector.shape_cast %parallel_loop3A_426 : vector<1x1x16xf32> to vector<16xf32>
      %parallel_loop3A_428 = arith.subf %parallel_loop3A_421, %parallel_loop3A_427 : vector<16xf32>
      %parallel_loop3A_429 = arith.mulf %parallel_loop3A_428, %parallel_loop3A_428 : vector<16xf32>
      %parallel_loop3A_430 = arith.addf %parallel_loop3A_408, %parallel_loop3A_429 : vector<16xf32>
      %parallel_loop3A_431 = arith.constant 1 : i32
      %parallel_loop3A_432 = arith.index_cast %parallel_loop3A_431 : i32 to index
      %parallel_loop3A_433 = arith.index_cast %parallel_loop3A_407 : i32 to index
      %parallel_loop3A_434 = arith.constant 16 : index
      %parallel_loop3A_435 = tpu.vector_load %arg8[%parallel_loop3A_432, %parallel_loop3A_433, %parallel_loop3A_434] {strides = array<i32>} : memref<2x128x128xf32, #tpu.memory_space<vmem>>, vector<1x1x16xf32>,
      %parallel_loop3A_436 = vector.shape_cast %parallel_loop3A_435 : vector<1x1x16xf32> to vector<16xf32>
      %parallel_loop3A_437 = arith.constant 3 : i32
      %parallel_loop3A_438 = arith.index_cast %parallel_loop3A_437 : i32 to index
      %parallel_loop3A_439 = arith.index_cast %parallel_loop3A_407 : i32 to index
      %parallel_loop3A_440 = arith.constant 16 : index
      %parallel_loop3A_441 = tpu.vector_load %arg7[%parallel_loop3A_438, %parallel_loop3A_439, %parallel_loop3A_440] {strides = array<i32>} : memref<5x128x128xf32, #tpu.memory_space<vmem>>, vector<1x1x16xf32>,
      %parallel_loop3A_442 = vector.shape_cast %parallel_loop3A_441 : vector<1x1x16xf32> to vector<16xf32>
      %parallel_loop3A_443 = arith.subf %parallel_loop3A_436, %parallel_loop3A_442 : vector<16xf32>
      %parallel_loop3A_444 = arith.mulf %parallel_loop3A_443, %parallel_loop3A_443 : vector<16xf32>
      %parallel_loop3A_445 = arith.addf %parallel_loop3A_409, %parallel_loop3A_444 : vector<16xf32>
      %parallel_loop3A_446 = arith.constant 1 : i32
      %parallel_loop3A_447 = arith.index_cast %parallel_loop3A_446 : i32 to index
      %parallel_loop3A_448 = arith.index_cast %parallel_loop3A_407 : i32 to index
      %parallel_loop3A_449 = arith.constant 32 : index
      %parallel_loop3A_450 = tpu.vector_load %arg8[%parallel_loop3A_447, %parallel_loop3A_448, %parallel_loop3A_449] {strides = array<i32>} : memref<2x128x128xf32, #tpu.memory_space<vmem>>, vector<1x1x16xf32>,
      %parallel_loop3A_451 = vector.shape_cast %parallel_loop3A_450 : vector<1x1x16xf32> to vector<16xf32>
      %parallel_loop3A_452 = arith.constant 3 : i32
      %parallel_loop3A_453 = arith.index_cast %parallel_loop3A_452 : i32 to index
      %parallel_loop3A_454 = arith.index_cast %parallel_loop3A_407 : i32 to index
      %parallel_loop3A_455 = arith.constant 32 : index
      %parallel_loop3A_456 = tpu.vector_load %arg7[%parallel_loop3A_453, %parallel_loop3A_454, %parallel_loop3A_455] {strides = array<i32>} : memref<5x128x128xf32, #tpu.memory_space<vmem>>, vector<1x1x16xf32>,
      %parallel_loop3A_457 = vector.shape_cast %parallel_loop3A_456 : vector<1x1x16xf32> to vector<16xf32>
      %parallel_loop3A_458 = arith.subf %parallel_loop3A_451, %parallel_loop3A_457 : vector<16xf32>
      %parallel_loop3A_459 = arith.mulf %parallel_loop3A_458, %parallel_loop3A_458 : vector<16xf32>
      %parallel_loop3A_460 = arith.addf %parallel_loop3A_410, %parallel_loop3A_459 : vector<16xf32>
      %parallel_loop3A_461 = arith.constant 1 : i32
      %parallel_loop3A_462 = arith.index_cast %parallel_loop3A_461 : i32 to index
      %parallel_loop3A_463 = arith.index_cast %parallel_loop3A_407 : i32 to index
      %parallel_loop3A_464 = arith.constant 48 : index
      %parallel_loop3A_465 = tpu.vector_load %arg8[%parallel_loop3A_462, %parallel_loop3A_463, %parallel_loop3A_464] {strides = array<i32>} : memref<2x128x128xf32, #tpu.memory_space<vmem>>, vector<1x1x16xf32>,
      %parallel_loop3A_466 = vector.shape_cast %parallel_loop3A_465 : vector<1x1x16xf32> to vector<16xf32>
      %parallel_loop3A_467 = arith.constant 3 : i32
      %parallel_loop3A_468 = arith.index_cast %parallel_loop3A_467 : i32 to index
      %parallel_loop3A_469 = arith.index_cast %parallel_loop3A_407 : i32 to index
      %parallel_loop3A_470 = arith.constant 48 : index
      %parallel_loop3A_471 = tpu.vector_load %arg7[%parallel_loop3A_468, %parallel_loop3A_469, %parallel_loop3A_470] {strides = array<i32>} : memref<5x128x128xf32, #tpu.memory_space<vmem>>, vector<1x1x16xf32>,
      %parallel_loop3A_472 = vector.shape_cast %parallel_loop3A_471 : vector<1x1x16xf32> to vector<16xf32>
      %parallel_loop3A_473 = arith.subf %parallel_loop3A_466, %parallel_loop3A_472 : vector<16xf32>
      %parallel_loop3A_474 = arith.mulf %parallel_loop3A_473, %parallel_loop3A_473 : vector<16xf32>
      %parallel_loop3A_475 = arith.addf %parallel_loop3A_411, %parallel_loop3A_474 : vector<16xf32>
      %parallel_loop3A_476 = arith.constant 1 : i32
      %parallel_loop3A_477 = arith.index_cast %parallel_loop3A_476 : i32 to index
      %parallel_loop3A_478 = arith.index_cast %parallel_loop3A_407 : i32 to index
      %parallel_loop3A_479 = arith.constant 64 : index
      %parallel_loop3A_480 = tpu.vector_load %arg8[%parallel_loop3A_477, %parallel_loop3A_478, %parallel_loop3A_479] {strides = array<i32>} : memref<2x128x128xf32, #tpu.memory_space<vmem>>, vector<1x1x16xf32>,
      %parallel_loop3A_481 = vector.shape_cast %parallel_loop3A_480 : vector<1x1x16xf32> to vector<16xf32>
      %parallel_loop3A_482 = arith.constant 3 : i32
      %parallel_loop3A_483 = arith.index_cast %parallel_loop3A_482 : i32 to index
      %parallel_loop3A_484 = arith.index_cast %parallel_loop3A_407 : i32 to index
      %parallel_loop3A_485 = arith.constant 64 : index
      %parallel_loop3A_486 = tpu.vector_load %arg7[%parallel_loop3A_483, %parallel_loop3A_484, %parallel_loop3A_485] {strides = array<i32>} : memref<5x128x128xf32, #tpu.memory_space<vmem>>, vector<1x1x16xf32>,
      %parallel_loop3A_487 = vector.shape_cast %parallel_loop3A_486 : vector<1x1x16xf32> to vector<16xf32>
      %parallel_loop3A_488 = arith.subf %parallel_loop3A_481, %parallel_loop3A_487 : vector<16xf32>
      %parallel_loop3A_489 = arith.mulf %parallel_loop3A_488, %parallel_loop3A_488 : vector<16xf32>
      %parallel_loop3A_490 = arith.addf %parallel_loop3A_412, %parallel_loop3A_489 : vector<16xf32>
      %parallel_loop3A_491 = arith.constant 1 : i32
      %parallel_loop3A_492 = arith.index_cast %parallel_loop3A_491 : i32 to index
      %parallel_loop3A_493 = arith.index_cast %parallel_loop3A_407 : i32 to index
      %parallel_loop3A_494 = arith.constant 80 : index
      %parallel_loop3A_495 = tpu.vector_load %arg8[%parallel_loop3A_492, %parallel_loop3A_493, %parallel_loop3A_494] {strides = array<i32>} : memref<2x128x128xf32, #tpu.memory_space<vmem>>, vector<1x1x16xf32>,
      %parallel_loop3A_496 = vector.shape_cast %parallel_loop3A_495 : vector<1x1x16xf32> to vector<16xf32>
      %parallel_loop3A_497 = arith.constant 3 : i32
      %parallel_loop3A_498 = arith.index_cast %parallel_loop3A_497 : i32 to index
      %parallel_loop3A_499 = arith.index_cast %parallel_loop3A_407 : i32 to index
      %parallel_loop3A_500 = arith.constant 80 : index
      %parallel_loop3A_501 = tpu.vector_load %arg7[%parallel_loop3A_498, %parallel_loop3A_499, %parallel_loop3A_500] {strides = array<i32>} : memref<5x128x128xf32, #tpu.memory_space<vmem>>, vector<1x1x16xf32>,
      %parallel_loop3A_502 = vector.shape_cast %parallel_loop3A_501 : vector<1x1x16xf32> to vector<16xf32>
      %parallel_loop3A_503 = arith.subf %parallel_loop3A_496, %parallel_loop3A_502 : vector<16xf32>
      %parallel_loop3A_504 = arith.mulf %parallel_loop3A_503, %parallel_loop3A_503 : vector<16xf32>
      %parallel_loop3A_505 = arith.addf %parallel_loop3A_413, %parallel_loop3A_504 : vector<16xf32>
      %parallel_loop3A_506 = arith.constant 1 : i32
      %parallel_loop3A_507 = arith.index_cast %parallel_loop3A_506 : i32 to index
      %parallel_loop3A_508 = arith.index_cast %parallel_loop3A_407 : i32 to index
      %parallel_loop3A_509 = arith.constant 96 : index
      %parallel_loop3A_510 = tpu.vector_load %arg8[%parallel_loop3A_507, %parallel_loop3A_508, %parallel_loop3A_509] {strides = array<i32>} : memref<2x128x128xf32, #tpu.memory_space<vmem>>, vector<1x1x16xf32>,
      %parallel_loop3A_511 = vector.shape_cast %parallel_loop3A_510 : vector<1x1x16xf32> to vector<16xf32>
      %parallel_loop3A_512 = arith.constant 3 : i32
      %parallel_loop3A_513 = arith.index_cast %parallel_loop3A_512 : i32 to index
      %parallel_loop3A_514 = arith.index_cast %parallel_loop3A_407 : i32 to index
      %parallel_loop3A_515 = arith.constant 96 : index
      %parallel_loop3A_516 = tpu.vector_load %arg7[%parallel_loop3A_513, %parallel_loop3A_514, %parallel_loop3A_515] {strides = array<i32>} : memref<5x128x128xf32, #tpu.memory_space<vmem>>, vector<1x1x16xf32>,
      %parallel_loop3A_517 = vector.shape_cast %parallel_loop3A_516 : vector<1x1x16xf32> to vector<16xf32>
      %parallel_loop3A_518 = arith.subf %parallel_loop3A_511, %parallel_loop3A_517 : vector<16xf32>
      %parallel_loop3A_519 = arith.mulf %parallel_loop3A_518, %parallel_loop3A_518 : vector<16xf32>
      %parallel_loop3A_520 = arith.addf %parallel_loop3A_414, %parallel_loop3A_519 : vector<16xf32>
      %parallel_loop3A_521 = arith.constant 1 : i32
      %parallel_loop3A_522 = arith.index_cast %parallel_loop3A_521 : i32 to index
      %parallel_loop3A_523 = arith.index_cast %parallel_loop3A_407 : i32 to index
      %parallel_loop3A_524 = arith.constant 112 : index
      %parallel_loop3A_525 = tpu.vector_load %arg8[%parallel_loop3A_522, %parallel_loop3A_523, %parallel_loop3A_524] {strides = array<i32>} : memref<2x128x128xf32, #tpu.memory_space<vmem>>, vector<1x1x16xf32>,
      %parallel_loop3A_526 = vector.shape_cast %parallel_loop3A_525 : vector<1x1x16xf32> to vector<16xf32>
      %parallel_loop3A_527 = arith.constant 3 : i32
      %parallel_loop3A_528 = arith.index_cast %parallel_loop3A_527 : i32 to index
      %parallel_loop3A_529 = arith.index_cast %parallel_loop3A_407 : i32 to index
      %parallel_loop3A_530 = arith.constant 112 : index
      %parallel_loop3A_531 = tpu.vector_load %arg7[%parallel_loop3A_528, %parallel_loop3A_529, %parallel_loop3A_530] {strides = array<i32>} : memref<5x128x128xf32, #tpu.memory_space<vmem>>, vector<1x1x16xf32>,
      %parallel_loop3A_532 = vector.shape_cast %parallel_loop3A_531 : vector<1x1x16xf32> to vector<16xf32>
      %parallel_loop3A_533 = arith.subf %parallel_loop3A_526, %parallel_loop3A_532 : vector<16xf32>
      %parallel_loop3A_534 = arith.mulf %parallel_loop3A_533, %parallel_loop3A_533 : vector<16xf32>
      %parallel_loop3A_535 = arith.addf %parallel_loop3A_415, %parallel_loop3A_534 : vector<16xf32>
      scf.yield %parallel_loop3A_430, %parallel_loop3A_445, %parallel_loop3A_460, %parallel_loop3A_475, %parallel_loop3A_490, %parallel_loop3A_505, %parallel_loop3A_520, %parallel_loop3A_535 : vector<16xf32>, vector<16xf32>, vector<16xf32>, vector<16xf32>, vector<16xf32>, vector<16xf32>, vector<16xf32>, vector<16xf32>
    } {sc.loop_unroll_factor = 2 : i64, sc.parallel_access}
    %dma_wait3A_366 = arith.constant 4 : i32
    %dma_wait3A_367 = arith.constant 4 : i32
    %dma_wait3A_368 = arith.constant 0 : i32
    %dma_wait3A_369 = arith.constant 0 : i32
    %dma_wait3A_370 = tpu.memref_slice %arg7[%dma_wait3A_367, %dma_wait3A_368, %dma_wait3A_369] : memref<5x128x128xf32, #tpu.memory_space<vmem>> -> memref<1x64x128xf32, #tpu.memory_space<vmem>>
    %dma_wait3A_371 = tpu.memref_squeeze %dma_wait3A_370 : memref<1x64x128xf32, #tpu.memory_space<vmem>> -> memref<64x128xf32, #tpu.memory_space<vmem>>
    %dma_wait3A_372 = arith.constant 0 : i32
    %dma_wait3A_373 = tpu.memref_slice %arg6[%dma_wait3A_366, %dma_wait3A_372] : memref<5x128xi32, #tpu.memory_space<vmem>> -> memref<1x64xi32, #tpu.memory_space<vmem>>
    %dma_wait3A_374 = tpu.memref_squeeze %dma_wait3A_373 : memref<1x64xi32, #tpu.memory_space<vmem>> -> memref<64xi32, #tpu.memory_space<vmem>>
    %dma_wait3A_375 = arith.constant 0 : i32
    %dma_wait3A_376 = arith.constant 0 : i32
    %dma_wait3A_377 = tpu.memref_slice %arg4[%dma_wait3A_375, %dma_wait3A_376] : memref<100000x128xf32, #tpu.memory_space<hbm>> -> memref<100000x128xf32, #tpu.memory_space<hbm>>
    tpu.wait_indirect_dma semaphore(%arg19 : memref<!tpu.dma_semaphore, #tpu.memory_space<semaphore_mem>>) src(%dma_wait3A_377 : memref<100000x128xf32, #tpu.memory_space<hbm>>) dst(%dma_wait3A_371 : memref<64x128xf32, #tpu.memory_space<vmem>>)
    %dma_wait3A_378 = arith.constant 0 : i32
    %dma_wait3A_379 = arith.constant 0 : i32
    %dma_wait3A_380 = arith.constant 0 : i32
    %dma_wait3A_381 = tpu.memref_slice %arg8[%dma_wait3A_378, %dma_wait3A_379, %dma_wait3A_380] : memref<2x128x128xf32, #tpu.memory_space<vmem>> -> memref<1x64x128xf32, #tpu.memory_space<vmem>>
    %dma_wait3A_382 = tpu.memref_squeeze %dma_wait3A_381 : memref<1x64x128xf32, #tpu.memory_space<vmem>> -> memref<64x128xf32, #tpu.memory_space<vmem>>
    %dma_wait3A_383 = arith.constant 0 : i32
    %dma_wait3A_384 = tpu.memref_slice %arg2[%add3A_323, %dma_wait3A_383] : memref<16384x128xf32, #tpu.memory_space<hbm>> -> memref<64x128xf32, #tpu.memory_space<hbm>>
    %dma_wait3A_385 = arith.constant 0 : i32
    %dma_wait3A_386 = arith.constant 0 : i32
    %dma_wait3A_387 = tpu.memref_slice %arg8[%dma_wait3A_378, %dma_wait3A_385, %dma_wait3A_386] : memref<2x128x128xf32, #tpu.memory_space<vmem>> -> memref<1x64x128xf32, #tpu.memory_space<vmem>>
    %dma_wait3A_388 = tpu.memref_squeeze %dma_wait3A_387 : memref<1x64x128xf32, #tpu.memory_space<vmem>> -> memref<64x128xf32, #tpu.memory_space<vmem>>
    %dma_wait3A_389 = arith.constant 0 : i32
    %dma_wait3A_390 = tpu.memref_slice %arg2[%add3A_323, %dma_wait3A_389] : memref<16384x128xf32, #tpu.memory_space<hbm>> -> memref<64x128xf32, #tpu.memory_space<hbm>>
    tpu.wait_dma2 semaphore(%arg20 : memref<!tpu.dma_semaphore, #tpu.memory_space<semaphore_mem>>) src(%dma_wait3A_390 : memref<64x128xf32, #tpu.memory_space<hbm>>) dst(%dma_wait3A_388 : memref<64x128xf32, #tpu.memory_space<vmem>>)
    %parallel_loop3A_391 = arith.constant 0 : i32
    %parallel_loop3A_392 = arith.constant 64 : i32
    %parallel_loop3A_393 = arith.constant 1 : i32
    %parallel_loop3A_394:8 = scf.for %parallel_loop3A_407 = %parallel_loop3A_391 to %parallel_loop3A_392 step %parallel_loop3A_393 iter_args(%parallel_loop3A_408 = %parallel_loop3A_365#0, %parallel_loop3A_409 = %parallel_loop3A_365#1, %parallel_loop3A_410 = %parallel_loop3A_365#2, %parallel_loop3A_411 = %parallel_loop3A_365#3, %parallel_loop3A_412 = %parallel_loop3A_365#4, %parallel_loop3A_413 = %parallel_loop3A_365#5, %parallel_loop3A_414 = %parallel_loop3A_365#6, %parallel_loop3A_415 = %parallel_loop3A_365#7) -> (vector<16xf32>, vector<16xf32>, vector<16xf32>, vector<16xf32>, vector<16xf32>, vector<16xf32>, vector<16xf32>, vector<16xf32>)  : i32 {
      %parallel_loop3A_416 = arith.constant 0 : i32
      %parallel_loop3A_417 = arith.index_cast %parallel_loop3A_416 : i32 to index
      %parallel_loop3A_418 = arith.index_cast %parallel_loop3A_407 : i32 to index
      %parallel_loop3A_419 = arith.constant 0 : index
      %parallel_loop3A_420 = tpu.vector_load %arg8[%parallel_loop3A_417, %parallel_loop3A_418, %parallel_loop3A_419] {strides = array<i32>} : memref<2x128x128xf32, #tpu.memory_space<vmem>>, vector<1x1x16xf32>,
      %parallel_loop3A_421 = vector.shape_cast %parallel_loop3A_420 : vector<1x1x16xf32> to vector<16xf32>
      %parallel_loop3A_422 = arith.constant 4 : i32
      %parallel_loop3A_423 = arith.index_cast %parallel_loop3A_422 : i32 to index
      %parallel_loop3A_424 = arith.index_cast %parallel_loop3A_407 : i32 to index
      %parallel_loop3A_425 = arith.constant 0 : index
      %parallel_loop3A_426 = tpu.vector_load %arg7[%parallel_loop3A_423, %parallel_loop3A_424, %parallel_loop3A_425] {strides = array<i32>} : memref<5x128x128xf32, #tpu.memory_space<vmem>>, vector<1x1x16xf32>,
      %parallel_loop3A_427 = vector.shape_cast %parallel_loop3A_426 : vector<1x1x16xf32> to vector<16xf32>
      %parallel_loop3A_428 = arith.subf %parallel_loop3A_421, %parallel_loop3A_427 : vector<16xf32>
      %parallel_loop3A_429 = arith.mulf %parallel_loop3A_428, %parallel_loop3A_428 : vector<16xf32>
      %parallel_loop3A_430 = arith.addf %parallel_loop3A_408, %parallel_loop3A_429 : vector<16xf32>
      %parallel_loop3A_431 = arith.constant 0 : i32
      %parallel_loop3A_432 = arith.index_cast %parallel_loop3A_431 : i32 to index
      %parallel_loop3A_433 = arith.index_cast %parallel_loop3A_407 : i32 to index
      %parallel_loop3A_434 = arith.constant 16 : index
      %parallel_loop3A_435 = tpu.vector_load %arg8[%parallel_loop3A_432, %parallel_loop3A_433, %parallel_loop3A_434] {strides = array<i32>} : memref<2x128x128xf32, #tpu.memory_space<vmem>>, vector<1x1x16xf32>,
      %parallel_loop3A_436 = vector.shape_cast %parallel_loop3A_435 : vector<1x1x16xf32> to vector<16xf32>
      %parallel_loop3A_437 = arith.constant 4 : i32
      %parallel_loop3A_438 = arith.index_cast %parallel_loop3A_437 : i32 to index
      %parallel_loop3A_439 = arith.index_cast %parallel_loop3A_407 : i32 to index
      %parallel_loop3A_440 = arith.constant 16 : index
      %parallel_loop3A_441 = tpu.vector_load %arg7[%parallel_loop3A_438, %parallel_loop3A_439, %parallel_loop3A_440] {strides = array<i32>} : memref<5x128x128xf32, #tpu.memory_space<vmem>>, vector<1x1x16xf32>,
      %parallel_loop3A_442 = vector.shape_cast %parallel_loop3A_441 : vector<1x1x16xf32> to vector<16xf32>
      %parallel_loop3A_443 = arith.subf %parallel_loop3A_436, %parallel_loop3A_442 : vector<16xf32>
      %parallel_loop3A_444 = arith.mulf %parallel_loop3A_443, %parallel_loop3A_443 : vector<16xf32>
      %parallel_loop3A_445 = arith.addf %parallel_loop3A_409, %parallel_loop3A_444 : vector<16xf32>
      %parallel_loop3A_446 = arith.constant 0 : i32
      %parallel_loop3A_447 = arith.index_cast %parallel_loop3A_446 : i32 to index
      %parallel_loop3A_448 = arith.index_cast %parallel_loop3A_407 : i32 to index
      %parallel_loop3A_449 = arith.constant 32 : index
      %parallel_loop3A_450 = tpu.vector_load %arg8[%parallel_loop3A_447, %parallel_loop3A_448, %parallel_loop3A_449] {strides = array<i32>} : memref<2x128x128xf32, #tpu.memory_space<vmem>>, vector<1x1x16xf32>,
      %parallel_loop3A_451 = vector.shape_cast %parallel_loop3A_450 : vector<1x1x16xf32> to vector<16xf32>
      %parallel_loop3A_452 = arith.constant 4 : i32
      %parallel_loop3A_453 = arith.index_cast %parallel_loop3A_452 : i32 to index
      %parallel_loop3A_454 = arith.index_cast %parallel_loop3A_407 : i32 to index
      %parallel_loop3A_455 = arith.constant 32 : index
      %parallel_loop3A_456 = tpu.vector_load %arg7[%parallel_loop3A_453, %parallel_loop3A_454, %parallel_loop3A_455] {strides = array<i32>} : memref<5x128x128xf32, #tpu.memory_space<vmem>>, vector<1x1x16xf32>,
      %parallel_loop3A_457 = vector.shape_cast %parallel_loop3A_456 : vector<1x1x16xf32> to vector<16xf32>
      %parallel_loop3A_458 = arith.subf %parallel_loop3A_451, %parallel_loop3A_457 : vector<16xf32>
      %parallel_loop3A_459 = arith.mulf %parallel_loop3A_458, %parallel_loop3A_458 : vector<16xf32>
      %parallel_loop3A_460 = arith.addf %parallel_loop3A_410, %parallel_loop3A_459 : vector<16xf32>
      %parallel_loop3A_461 = arith.constant 0 : i32
      %parallel_loop3A_462 = arith.index_cast %parallel_loop3A_461 : i32 to index
      %parallel_loop3A_463 = arith.index_cast %parallel_loop3A_407 : i32 to index
      %parallel_loop3A_464 = arith.constant 48 : index
      %parallel_loop3A_465 = tpu.vector_load %arg8[%parallel_loop3A_462, %parallel_loop3A_463, %parallel_loop3A_464] {strides = array<i32>} : memref<2x128x128xf32, #tpu.memory_space<vmem>>, vector<1x1x16xf32>,
      %parallel_loop3A_466 = vector.shape_cast %parallel_loop3A_465 : vector<1x1x16xf32> to vector<16xf32>
      %parallel_loop3A_467 = arith.constant 4 : i32
      %parallel_loop3A_468 = arith.index_cast %parallel_loop3A_467 : i32 to index
      %parallel_loop3A_469 = arith.index_cast %parallel_loop3A_407 : i32 to index
      %parallel_loop3A_470 = arith.constant 48 : index
      %parallel_loop3A_471 = tpu.vector_load %arg7[%parallel_loop3A_468, %parallel_loop3A_469, %parallel_loop3A_470] {strides = array<i32>} : memref<5x128x128xf32, #tpu.memory_space<vmem>>, vector<1x1x16xf32>,
      %parallel_loop3A_472 = vector.shape_cast %parallel_loop3A_471 : vector<1x1x16xf32> to vector<16xf32>
      %parallel_loop3A_473 = arith.subf %parallel_loop3A_466, %parallel_loop3A_472 : vector<16xf32>
      %parallel_loop3A_474 = arith.mulf %parallel_loop3A_473, %parallel_loop3A_473 : vector<16xf32>
      %parallel_loop3A_475 = arith.addf %parallel_loop3A_411, %parallel_loop3A_474 : vector<16xf32>
      %parallel_loop3A_476 = arith.constant 0 : i32
      %parallel_loop3A_477 = arith.index_cast %parallel_loop3A_476 : i32 to index
      %parallel_loop3A_478 = arith.index_cast %parallel_loop3A_407 : i32 to index
      %parallel_loop3A_479 = arith.constant 64 : index
      %parallel_loop3A_480 = tpu.vector_load %arg8[%parallel_loop3A_477, %parallel_loop3A_478, %parallel_loop3A_479] {strides = array<i32>} : memref<2x128x128xf32, #tpu.memory_space<vmem>>, vector<1x1x16xf32>,
      %parallel_loop3A_481 = vector.shape_cast %parallel_loop3A_480 : vector<1x1x16xf32> to vector<16xf32>
      %parallel_loop3A_482 = arith.constant 4 : i32
      %parallel_loop3A_483 = arith.index_cast %parallel_loop3A_482 : i32 to index
      %parallel_loop3A_484 = arith.index_cast %parallel_loop3A_407 : i32 to index
      %parallel_loop3A_485 = arith.constant 64 : index
      %parallel_loop3A_486 = tpu.vector_load %arg7[%parallel_loop3A_483, %parallel_loop3A_484, %parallel_loop3A_485] {strides = array<i32>} : memref<5x128x128xf32, #tpu.memory_space<vmem>>, vector<1x1x16xf32>,
      %parallel_loop3A_487 = vector.shape_cast %parallel_loop3A_486 : vector<1x1x16xf32> to vector<16xf32>
      %parallel_loop3A_488 = arith.subf %parallel_loop3A_481, %parallel_loop3A_487 : vector<16xf32>
      %parallel_loop3A_489 = arith.mulf %parallel_loop3A_488, %parallel_loop3A_488 : vector<16xf32>
      %parallel_loop3A_490 = arith.addf %parallel_loop3A_412, %parallel_loop3A_489 : vector<16xf32>
      %parallel_loop3A_491 = arith.constant 0 : i32
      %parallel_loop3A_492 = arith.index_cast %parallel_loop3A_491 : i32 to index
      %parallel_loop3A_493 = arith.index_cast %parallel_loop3A_407 : i32 to index
      %parallel_loop3A_494 = arith.constant 80 : index
      %parallel_loop3A_495 = tpu.vector_load %arg8[%parallel_loop3A_492, %parallel_loop3A_493, %parallel_loop3A_494] {strides = array<i32>} : memref<2x128x128xf32, #tpu.memory_space<vmem>>, vector<1x1x16xf32>,
      %parallel_loop3A_496 = vector.shape_cast %parallel_loop3A_495 : vector<1x1x16xf32> to vector<16xf32>
      %parallel_loop3A_497 = arith.constant 4 : i32
      %parallel_loop3A_498 = arith.index_cast %parallel_loop3A_497 : i32 to index
      %parallel_loop3A_499 = arith.index_cast %parallel_loop3A_407 : i32 to index
      %parallel_loop3A_500 = arith.constant 80 : index
      %parallel_loop3A_501 = tpu.vector_load %arg7[%parallel_loop3A_498, %parallel_loop3A_499, %parallel_loop3A_500] {strides = array<i32>} : memref<5x128x128xf32, #tpu.memory_space<vmem>>, vector<1x1x16xf32>,
      %parallel_loop3A_502 = vector.shape_cast %parallel_loop3A_501 : vector<1x1x16xf32> to vector<16xf32>
      %parallel_loop3A_503 = arith.subf %parallel_loop3A_496, %parallel_loop3A_502 : vector<16xf32>
      %parallel_loop3A_504 = arith.mulf %parallel_loop3A_503, %parallel_loop3A_503 : vector<16xf32>
      %parallel_loop3A_505 = arith.addf %parallel_loop3A_413, %parallel_loop3A_504 : vector<16xf32>
      %parallel_loop3A_506 = arith.constant 0 : i32
      %parallel_loop3A_507 = arith.index_cast %parallel_loop3A_506 : i32 to index
      %parallel_loop3A_508 = arith.index_cast %parallel_loop3A_407 : i32 to index
      %parallel_loop3A_509 = arith.constant 96 : index
      %parallel_loop3A_510 = tpu.vector_load %arg8[%parallel_loop3A_507, %parallel_loop3A_508, %parallel_loop3A_509] {strides = array<i32>} : memref<2x128x128xf32, #tpu.memory_space<vmem>>, vector<1x1x16xf32>,
      %parallel_loop3A_511 = vector.shape_cast %parallel_loop3A_510 : vector<1x1x16xf32> to vector<16xf32>
      %parallel_loop3A_512 = arith.constant 4 : i32
      %parallel_loop3A_513 = arith.index_cast %parallel_loop3A_512 : i32 to index
      %parallel_loop3A_514 = arith.index_cast %parallel_loop3A_407 : i32 to index
      %parallel_loop3A_515 = arith.constant 96 : index
      %parallel_loop3A_516 = tpu.vector_load %arg7[%parallel_loop3A_513, %parallel_loop3A_514, %parallel_loop3A_515] {strides = array<i32>} : memref<5x128x128xf32, #tpu.memory_space<vmem>>, vector<1x1x16xf32>,
      %parallel_loop3A_517 = vector.shape_cast %parallel_loop3A_516 : vector<1x1x16xf32> to vector<16xf32>
      %parallel_loop3A_518 = arith.subf %parallel_loop3A_511, %parallel_loop3A_517 : vector<16xf32>
      %parallel_loop3A_519 = arith.mulf %parallel_loop3A_518, %parallel_loop3A_518 : vector<16xf32>
      %parallel_loop3A_520 = arith.addf %parallel_loop3A_414, %parallel_loop3A_519 : vector<16xf32>
      %parallel_loop3A_521 = arith.constant 0 : i32
      %parallel_loop3A_522 = arith.index_cast %parallel_loop3A_521 : i32 to index
      %parallel_loop3A_523 = arith.index_cast %parallel_loop3A_407 : i32 to index
      %parallel_loop3A_524 = arith.constant 112 : index
      %parallel_loop3A_525 = tpu.vector_load %arg8[%parallel_loop3A_522, %parallel_loop3A_523, %parallel_loop3A_524] {strides = array<i32>} : memref<2x128x128xf32, #tpu.memory_space<vmem>>, vector<1x1x16xf32>,
      %parallel_loop3A_526 = vector.shape_cast %parallel_loop3A_525 : vector<1x1x16xf32> to vector<16xf32>
      %parallel_loop3A_527 = arith.constant 4 : i32
      %parallel_loop3A_528 = arith.index_cast %parallel_loop3A_527 : i32 to index
      %parallel_loop3A_529 = arith.index_cast %parallel_loop3A_407 : i32 to index
      %parallel_loop3A_530 = arith.constant 112 : index
      %parallel_loop3A_531 = tpu.vector_load %arg7[%parallel_loop3A_528, %parallel_loop3A_529, %parallel_loop3A_530] {strides = array<i32>} : memref<5x128x128xf32, #tpu.memory_space<vmem>>, vector<1x1x16xf32>,
      %parallel_loop3A_532 = vector.shape_cast %parallel_loop3A_531 : vector<1x1x16xf32> to vector<16xf32>
      %parallel_loop3A_533 = arith.subf %parallel_loop3A_526, %parallel_loop3A_532 : vector<16xf32>
      %parallel_loop3A_534 = arith.mulf %parallel_loop3A_533, %parallel_loop3A_533 : vector<16xf32>
      %parallel_loop3A_535 = arith.addf %parallel_loop3A_415, %parallel_loop3A_534 : vector<16xf32>
      scf.yield %parallel_loop3A_430, %parallel_loop3A_445, %parallel_loop3A_460, %parallel_loop3A_475, %parallel_loop3A_490, %parallel_loop3A_505, %parallel_loop3A_520, %parallel_loop3A_535 : vector<16xf32>, vector<16xf32>, vector<16xf32>, vector<16xf32>, vector<16xf32>, vector<16xf32>, vector<16xf32>, vector<16xf32>
    } {sc.loop_unroll_factor = 2 : i64, sc.parallel_access}
    %add3A_395 = arith.addf %parallel_loop3A_394#0, %parallel_loop3A_394#1 : vector<16xf32>
    %add3A_396 = arith.addf %add3A_395, %parallel_loop3A_394#2 : vector<16xf32>
    %add3A_397 = arith.addf %add3A_396, %parallel_loop3A_394#3 : vector<16xf32>
    %add3A_398 = arith.addf %add3A_397, %parallel_loop3A_394#4 : vector<16xf32>
    %add3A_399 = arith.addf %add3A_398, %parallel_loop3A_394#5 : vector<16xf32>
    %add3A_400 = arith.addf %add3A_399, %parallel_loop3A_394#6 : vector<16xf32>
    %add3A_401 = arith.addf %add3A_400, %parallel_loop3A_394#7 : vector<16xf32>
    %swap3A = arith.constant 0 : index
    %swap3A_402 = tpu.vector_load %arg9[%swap3A] {strides = array<i32>} : memref<16xf32, #tpu.memory_space<vmem>>, vector<16xf32>,
    %swap3A_403 = vector.shape_cast %swap3A_402 : vector<16xf32> to vector<16xf32>
    %swap3A_404 = vector.shape_cast %add3A_401 : vector<16xf32> to vector<16xf32>
    tpu.vector_store %arg9[%swap3A], %swap3A_404 {strides = array<i32>} : memref<16xf32, #tpu.memory_space<vmem>>, vector<16xf32>,
    %mul3A_405 = arith.constant 16 : i32
    %mul3A_406 = arith.muli %add3A, %mul3A_405 : i32
    "tpu.region"() ({
      %run_scoped3A = tpu.sem_alloc : memref<!tpu.dma_semaphore, #tpu.memory_space<semaphore_mem>>
      %dma_start3A_407 = tpu.memref_slice %arg5[%mul3A_406] : memref<512xf32, #tpu.memory_space<hbm>> -> memref<16xf32, #tpu.memory_space<hbm>>
      %dma_start3A_408 = tpu.memref_slice %arg5[%mul3A_406] : memref<512xf32, #tpu.memory_space<hbm>> -> memref<16xf32, #tpu.memory_space<hbm>>
      tpu.enqueue_dma source(%arg9 : memref<16xf32, #tpu.memory_space<vmem>>) target(%dma_start3A_408 : memref<16xf32, #tpu.memory_space<hbm>>) target_semaphore(%run_scoped3A : memref<!tpu.dma_semaphore, #tpu.memory_space<semaphore_mem>>)
      %dma_wait3A_409 = tpu.memref_slice %arg5[%mul3A_406] : memref<512xf32, #tpu.memory_space<hbm>> -> memref<16xf32, #tpu.memory_space<hbm>>
      %dma_wait3A_410 = tpu.memref_slice %arg5[%mul3A_406] : memref<512xf32, #tpu.memory_space<hbm>> -> memref<16xf32, #tpu.memory_space<hbm>>
      tpu.wait_dma2 semaphore(%run_scoped3A : memref<!tpu.dma_semaphore, #tpu.memory_space<semaphore_mem>>) src(%arg9 : memref<16xf32, #tpu.memory_space<vmem>>) dst(%dma_wait3A_410 : memref<16xf32, #tpu.memory_space<hbm>>)
      tpu.yield
    }) : () -> ()
    return
  }
}

module attributes {stable_mosaic.version = 14 : i64} {
  func.func @body(%arg0: memref<4x128xf32, #tpu.memory_space<vmem>>, %arg1: memref<1x1xf32, #tpu.memory_space<smem>>) attributes {dimension_semantics = [], scalar_prefetch = 0 : i64, scratch_operands = 0 : i64, tpu.core_type = #tpu.core_type<tc>} {
    %get3A = arith.constant 0 : index
    %get3A_0 = arith.constant 0 : index
    %get3A_1 = vector.load %arg0[%get3A, %get3A_0] : memref<4x128xf32, #tpu.memory_space<vmem>>, vector<4x128xf32>
    %reduce_sum3A = vector.shape_cast %get3A_1 : vector<4x128xf32> to vector<1x4x128xf32>
    %reduce_sum3A_2 = arith.constant dense<0.000000e+00> : vector<1xf32>
    %reduce_sum3A_3 = vector.multi_reduction <add>, %reduce_sum3A, %reduce_sum3A_2 [1, 2] : vector<1x4x128xf32> to vector<1xf32>
    %reduce_sum3A_4 = vector.shape_cast %reduce_sum3A_3 : vector<1xf32> to vector<1x1x1xf32>
    %reduce_sum3A_5 = vector.extract %reduce_sum3A_4[0, 0, 0] : f32 from vector<1x1x1xf32>
    %mul3A = arith.constant 5.000000e-01 : f32
    %mul3A_6 = arith.mulf %reduce_sum3A_5, %mul3A : f32
    %swap3A = arith.constant 0 : index
    %swap3A_7 = arith.constant 0 : index
    %swap3A_8 = memref.load %arg1[%swap3A, %swap3A_7] : memref<1x1xf32, #tpu.memory_space<smem>>
    memref.store %mul3A_6, %arg1[%swap3A, %swap3A_7] : memref<1x1xf32, #tpu.memory_space<smem>>
    return
  }
}

</mosaic_0001>

<sc_bundles>
// kernel: kernel.4.cloned.1.call-start
scs
__scs_entry_jumppad:
0x0: {  	(pc) =	sbr.rel $0x88, $3  }
0x1: {  	(tag) =	ssettag $0x0;
	lr =	simm.s32 $0x1  }
0x2: {  	[smem:$0x3F9E] =	sst lr;
	_ =	strace $0xD0000000  }
0x3: {  	_ = 	snop  }
0x4: {  	_ = 	snop  }
0x5: {  	_ = 	snop  }
0x6: {  	_ = 	snop  }
0x7: {  	_ = 	snop  }
__scs_overlays_trampoline_lowered:
0x8: {  	[smem:$0x3FAD] =	sst s0  }
0x9: {  	[smem:$0x3FAE] =	sst s1  }
0xa: {  	[smem:$0x3FAF] =	sst s2  }
0xb: {  	[smem:$0x3FB0] =	sst s3  }
0xc: {  	[smem:$0x3FB1] =	sst s4  }
0xd: {  	[smem:$0x3FB2] =	sst s5  }
0xe: {  	[smem:$0x3FB3] =	sst s6  }
0xf: {  	[smem:$0x3FB4] =	sst s7  }
0x10: {  	[smem:$0x3FB5] =	sst s8  }
0x11: {  	[smem:$0x3FB6] =	sst s9;
	s0 =	simm.s32 @!p0 $0x0  }
0x12: {  	s1 =	sld [smem:$0x3F9C];
	s0 =	simm.s32 @p0 $0x1  }
0x13: {  	[smem:$0x3FB7] =	sst s0;
	s0 =	simm.s32 @!p1 $0x0  }
0x14: {  	s2 =	sld [smem:$0x3F9B];
	s0 =	simm.s32 @p1 $0x1  }
0x15: {  	[smem:$0x3FB8] =	sst s0;
	s0 =	simm.s32 @!p2 $0x0  }
0x16: {  	s3 =	sld [smem:$0x3FDB];
	s0 =	simm.s32 @p2 $0x1  }
0x17: {  	s4 =	simm.s32 $0x1BF5;
	[smem:$0x3FBA] =	sst s0  }
0x18: {  	s0 =	sld [smem:$0x3F9D];
	_ =	swait.ge [sflag:s4], $0x0  }
0x19: {  	s7 =	sld [smem:$0x3F9E]  }
0x1a: {  	s8 =	sadd.s32 $0xFFFFE003, lr  }
0x1b: {  	s9 =	sadd.s32 $0xFFFFFEF7, lr;
	s5 =	simm.s32 $0xFFFFFFFF;
	p2 =	slt.u32 s8, $0xFFFFF086  }
0x1c: {  	p1 =	slt.u32 s9, $0xF7A;
	s5 =	simm.s32 @!p2 $0x0  }
0x1d: {  	s5 =	simm.s32 @p1 $0x1;
	p0 =	seq.s32 s7, s2  }
0x1e: {  	s7 =	smul.u32 @!p0 $0xF7A, s2;
	p2 =	seq.s32 @!p0 s5, $0x0  }
0x1f: {  	s9 =	smul.u32 $0xF7A, s1;
	s8 =	simm.s32 @!p0 $0x1BF5;
	p2 =	por !p2, p0  }
0x20: {  	[sflag:s8] =	ssyncset.s32 @!p0 $0xFFFFF086;
	s6 =	sadd.s32 @!p0 s3, s7;
	s7 =	simm.s32 @!p0 $0x108  }
0x21: {  	s3 =	sadd.s32 s3, s9;
	s6 =	sadd.s32 @!p0 $0x88, s6;
	s7 =	simm.s32 @p2 $0x1082  }
0x22: {  	[simem:s7], [sflag:s8] =	dma.local @!p0 [hbm:s6], $0xF7A  }
0x23: {  	s9 =	sor.u32 $0xD0000000, s2;
	s6 =	simm.s32 $0x108;
	_ =	swait.ge @!p0 [sflag:s8], $0x0  }
0x24: {  	s3 =	sadd.s32 $0x88, s3;
	s6 =	simm.s32 @!p1 $0x1082;
	[sflag:s4] =	ssyncset.s32 $0xFFFFF086  }
0x25: {  	[simem:s6], [sflag:s4] =	dma.local [hbm:s3], $0xF7A  }
0x26: {  	[smem:$0x3F9E] =	sst s1;
	(tag) =	ssettag s2;
	_ =	strace s9  }
0x27: {  	s1 =	sld [smem:$0x3FAE]  }
0x28: {  	s2 =	sld [smem:$0x3FAF]  }
0x29: {  	s4 =	sld [smem:$0x3FB1]  }
0x2a: {  	p0 =	seq.s32 s5, $0x0;
	s5 =	sld [smem:$0x3FB2]  }
0x2b: {  	s6 =	sld [smem:$0x3FB3]  }
0x2c: {  	s7 =	sld [smem:$0x3FB4]  }
0x2d: {  	s3 =	simm.s32 $0x108;
	s8 =	sld [smem:$0x3FB5]  }
0x2e: {  	s3 =	simm.s32 @!p0 $0x1082;
	s9 =	sld [smem:$0x3FB6]  }
0x2f: {  	lr =	sadd.s32 s0, s3;
	s0 =	sld [smem:$0x3FAD]  }
0x30: {  	s3 =	sld [smem:$0x3FB0]  }
0x31: {  	[smem:$0x3FB9] =	sst s10  }
0x32: {  	s10 =	sld [smem:$0x3FB7];
	_ =	sdelay $0x3  }
0x33: {  	p0 =	seq.s32 s10, $0x1;
	s10 =	sld [smem:$0x3FB9];
	_ =	sdelay $0x3  }
0x34: {  	[smem:$0x3FB9] =	sst s10  }
0x35: {  	s10 =	sld [smem:$0x3FB8];
	_ =	sdelay $0x3  }
0x36: {  	p1 =	seq.s32 s10, $0x1;
	s10 =	sld [smem:$0x3FB9];
	_ =	sdelay $0x3  }
0x37: {  	[smem:$0x3FB9] =	sst s10  }
0x38: {  	s10 =	sld [smem:$0x3FBA]  }
0x39: {  	_ = 	snop;
	(pc) =	sbr.ind lr, $3  }
0x3a: {  	_ = 	snop  }
0x3b: {  	_ = 	snop  }
0x3c: {  	p2 =	seq.s32 s10, $0x1;
	s10 =	sld [smem:$0x3FB9]  }
0x3d: {  	_ =	shalt  }
0x3e: {  	_ =	shalt  }
0x3f: {  	_ =	shalt  }
0x40: {  	_ =	shalt  }
0x41: {  	_ =	shalt  }
0x42: {  	_ =	shalt  }
0x43: {  	_ =	shalt  }
0x44: {  	_ =	shalt  }
0x45: {  	_ =	shalt  }
0x46: {  	_ =	shalt  }
0x47: {  	_ =	shalt  }
0x48: {  	_ =	shalt  }
0x49: {  	_ =	shalt  }
0x4a: {  	_ =	shalt  }
0x4b: {  	_ =	shalt  }
0x4c: {  	_ =	shalt  }
0x4d: {  	_ =	shalt  }
0x4e: {  	_ =	shalt  }
0x4f: {  	_ =	shalt  }
0x50: {  	_ =	shalt  }
0x51: {  	_ =	shalt  }
0x52: {  	_ =	shalt  }
0x53: {  	_ =	shalt  }
0x54: {  	_ =	shalt  }
0x55: {  	_ =	shalt  }
0x56: {  	_ =	shalt  }
0x57: {  	_ =	shalt  }
0x58: {  	_ =	shalt  }
0x59: {  	_ =	shalt  }
0x5a: {  	_ =	shalt  }
0x5b: {  	_ =	shalt  }
0x5c: {  	_ =	shalt  }
0x5d: {  	_ =	shalt  }
0x5e: {  	_ =	shalt  }
0x5f: {  	_ =	shalt  }
0x60: {  	_ =	shalt  }
0x61: {  	_ =	shalt  }
0x62: {  	_ =	shalt  }
0x63: {  	_ =	shalt  }
0x64: {  	_ =	shalt  }
0x65: {  	_ =	shalt  }
0x66: {  	_ =	shalt  }
0x67: {  	_ =	shalt  }
0x68: {  	_ =	shalt  }
0x69: {  	_ =	shalt  }
0x6a: {  	_ =	shalt  }
0x6b: {  	_ =	shalt  }
0x6c: {  	_ =	shalt  }
0x6d: {  	_ =	shalt  }
0x6e: {  	_ =	shalt  }
0x6f: {  	_ =	shalt  }
0x70: {  	_ =	shalt  }
0x71: {  	_ =	shalt  }
0x72: {  	_ =	shalt  }
0x73: {  	_ =	shalt  }
0x74: {  	_ =	shalt  }
0x75: {  	_ =	shalt  }
0x76: {  	_ =	shalt  }
0x77: {  	_ =	shalt  }
0x78: {  	_ =	shalt  }
0x79: {  	_ =	shalt  }
0x7a: {  	_ =	shalt  }
0x7b: {  	_ =	shalt  }
0x7c: {  	_ =	shalt  }
0x7d: {  	_ =	shalt  }
0x7e: {  	_ =	shalt  }
0x7f: {  	_ =	shalt  }
0x80: {  	_ =	shalt  }
0x81: {  	_ =	shalt  }
0x82: {  	_ =	shalt  }
0x83: {  	_ =	shalt  }
0x84: {  	_ =	shalt  }
0x85: {  	_ =	shalt  }
0x86: {  	_ =	shalt  }
0x87: {  	_ =	shalt  }
.Lfunc_end0:
.L_simem_size_0:
called_computation_lowered:
.L_overlay_start_0:
0x88: {  	s2 =	sld [smem:$0x3FD9]  }
0x89: {  	s3 =	sld [smem:$0x3FFE];
	_ =	sdelay $0x1  }
0x8a: {  	s1 =	srdreg.scid  }
0x8b: {  	s0 =	sand.u32 $0x1, s1  }
0x8c: {  	s17 =	sshll.u32 s0, $0xA;
	s2 =	sadd.s32 s3, s2  }
0x8d: {  	s2 =	sadd.s32 s2, s17  }
0x8e: {  	[smem:$0x3FC5] =	sst s2  }
0x8f: {  	_ = 	snop  }
0x90: {  	s2 =	sld [smem:$0x3FC9]  }
0x91: {  	s18 =	sld [smem:$0x3FC8]  }
0x92: {  	s4 =	sld [smem:$0x3FC7];
	(tm) =	ssettm $0x1  }
0x93: {  	s5 =	sld [smem:$0x3FFB];
	_ =	sdelay $0x3  }
0x94: {  	_ =	strace s5  }
0x95: {  	s5 =	sld [smem:$0x3FFC];
	_ =	sdelay $0x3  }
0x96: {  	_ =	strace s5  }
0x97: {  	s5 =	sld [smem:$0x3FFD];
	_ =	sdelay $0x3  }
0x98: {  	_ =	strace s5  }
0x99: {  	_ =	strace $0x8FFFFFFF  }
0x9a: {  	s19 =	sld [smem:$0x3FDB];
	_ =	sdelay $0x1  }
0x9b: {  	s6 =	simm.s32 $_scs_section_size  }
0x9c: {  	s7 =	simm.s32 $_size__tile_overlayer_lowered;
	s8 =	simm.s32 $_tile_overlayer_lowered  }
0x9d: {  	s22 =	simm.s32 $0x1BFF;
	s21 =	sshll.u32 s8, $0x1;
	s5 =	sadd.s32 s6, s19  }
0x9e: {  	s9 =	simm.s32 $0x0;
	s20 =	sshll.u32 s7, $0x1;
	s7 =	sadd.s32 s21, s5  }
0x9f: {  	[timem:s9], [sflag:s22] =	dma.local [hbm:s7], s20  }
0xa0: {  	_ =	swait.ge [sflag:s22], s20  }
0xa1: {  	s6 =	ssub.s32 $0x0, s20;
	[sflag:s22] =	ssyncset.done $0x0  }
0xa2: {  	[sflag:s22] =	ssyncadd.s32 s6;
	_ =	sdelay $0x1  }
0xa3: {  	s23 =	simm.s32 $0x1B8B  }
0xa4: {  	_ =	swait.ge [sflag:s23], $0x1  }
0xa5: {  	[sflag:s23] =	ssyncset.done $0x0  }
0xa6: {  	s25 =	simm.s32 $0x1B8E;
	s24 =	sld [smem:$0x3FFE];
	[sflag:s23] =	ssyncadd.s32 $0xFFFFFFFF  }
0xa7: {  	s26 =	simm.s32 $execute0_lowered;
	[smem:$0x3FD2] =	sst s25  }
0xa8: {  	s7 =	sshll.u32 s26, $0x1;
	_ =	strace $0x80000046;
	[dreg:$0x1] =	wrdreg $0xFFFFFFFF  }
0xa9: {  	s28 =	simm.s32 $_size_execute0_lowered;
	s5 =	sadd.s32 s5, s7;
	[dreg:$0x0] =	wrdreg $0x0  }
0xaa: {  	s7 =	sshll.u32 s28, $0x1;
	[dreg:$0x2] =	wrdreg s5  }
0xab: {  	[dreg:$0x3] =	wrdreg s7  }
0xac: {  	[dreg:$0x4] =	wrdreg $0xC0  }
0xad: {  	_ =	task [dreg:s9], $0x5FFFF  }
0xae: {  	[dreg:$0x1] =	wrdreg $0xFFFFFFFF  }
0xaf: {  	[dreg:$0x0] =	wrdreg $0x60  }
0xb0: {  	[dreg:$0x2] =	wrdreg s2  }
0xb1: {  	[dreg:$0x3] =	wrdreg s18  }
0xb2: {  	[dreg:$0x4] =	wrdreg s4  }
0xb3: {  	[dreg:$0x5] =	wrdreg s24  }
0xb4: {  	[dreg:$0x6] =	wrdreg $0x9  }
0xb5: {  	_ =	task.clear_ibuf [dreg:s9], $0x7FFFF;
	_ =	strace $0x90000046  }
0xb6: {  	s29 =	simm.s32 $0x9;
	_ =	strace $0x80000048  }
0xb7: {  	_ =	swait.ge [sflag:s29], $0x1  }
0xb8: {  	[sflag:s29] =	ssyncadd.s32 $0xFFFFFFFF  }
0xb9: {  	_ =	strace $0x90000048  }
0xba: {  	_ =	sfence  }
0xbb: {  	s30 =	sld [smem:$0x0];
	_ =	sdelay $0x2  }
0xbc: {  	s31 =	sshll.u32 s1, $0xD;
	s1 =	sshrl.u32 s1, $0x2  }
0xbd: {  	s3 =	sand.u32 $0x4000, s31;
	s1 =	sadd.s32 s1, s30  }
0xbe: {  	s0 =	sor.u32 s3, s0;
	s1 =	sshll.u32 s1, $0x11  }
0xbf: {  	s0 =	sor.u32 s1, s0  }
0xc0: {  	s0 =	sadd.s32 $0x8F2B, s0  }
0xc1: {  	[sflag:s0] =	ssyncadd.remote.s32 $0x1  }
0xc2: {  	_ =	sfence.sel $0xFFFF  }
0xc3: {  	[dreg:$0x0] =	wrdreg $0xFFFFFFFF;
	(pc) =	sbr.abs _section_cstart, $3  }
0xc4: {  	[dreg:$0x1] =	wrdreg $0xFFFFFFFF  }
0xc5: {  	_ =	task.clear_ibuf [dreg:s9], $0x2FFFF;
	_ =	strace $0x9FFFFFFF  }
0xc6: {  	(tm) =	ssettm $0x7FFFFFFF  }
0xc7: {  	_ =	shalt  }
tec
execute0_lowered:
.L_overlay_start_1:
0x0: {  	(tag) =	ssettag $0x1  }
0x1: {  	s0 =	rddreg [dreg:$0x0]  }
0x2: {  	s1 =	rddreg [dreg:$0x1]  }
0x3: {  	s2 =	rddreg [dreg:$0x2]  }
0x4: {  	s4 =	rddreg [dreg:$0x3]  }
0x5: {  	s5 =	srdreg.scid;
	s6 =	stileid.u32  }
0x6: {  	s3 =	simm.s32 $0x0;
	s16 =	simm.s32 $0x80;
	s28 =	simm.s32 $0x3  }
0x7: {  	s30 =	simm.s32 $0x4;
	s29 =	simm.s32 $0x7;
	s31 =	simm.s32 $0xC  }
0x8: {  	s5 =	sand.u32 $0x1, s5;
	s6 =	sshll.u32 s6, $0x1;
	[smem:$0x7FF] =	sst s3  }
0x9: {  	s6 =	sor.u32 s5, s6;
	_ =	strace $0x80000047;
	s5 =	ssub.s32 $0x2, s5  }
0xa: {  	s7 =	sshll.u32 s6, $0x1;
	s17 =	sshrl.u32 s5, $0x1;
	s8 =	sshll.u32 s6, $0x9  }
0xb: {  	s18 =	sshll.u32 s6, $0x6;
	s6 =	sshll.u32 s6, $0xD;
	s4 =	sadd.s32 s7, s4  }
0xc: {  	s5 =	ssub.s32 s5, s17;
	s10 =	sor.u32 $0x40, s8;
	s7 =	sadd.s32 s1, s18  }
0xd: {  	s11 =	sor.u32 $0xC0, s8;
	s12 =	sor.u32 $0x140, s8;
	s8 =	sor.u32 $0x1C0, s8  }
0xe: {  	s9 =	sadd.s32 s0, s6;
	s18 =	simm.s32 $0x180;
	s6 =	simm.s32 $0xD  }
0xf: {  	[dreg:$0x5] =	wrdreg s7;
	s19 =	sshrl.u32 s10, $0x3;
	s20 =	sshrl.u32 s11, $0x3  }
0x10: {  	s21 =	sshrl.u32 s12, $0x3;
	s22 =	sshrl.u32 s8, $0x3;
	s23 =	sshll.u32 s10, $0x4  }
0x11: {  	s24 =	sshll.u32 s11, $0x4;
	s25 =	sshll.u32 s12, $0x4;
	s26 =	sshll.u32 s8, $0x4  }
0x12: {  	s14 =	sadd.s32 $0x600, s4;
	s15 =	smax.u32 s5, $0x1;
	s4 =	simm.s32 $0x9  }
0x13: {  	s5 =	simm.s32 $0xA;
	s7 =	sadd.s32 s1, s19;
	s10 =	sadd.s32 s0, s23  }
0x14: {  	s11 =	sadd.s32 s0, s24;
	s12 =	sadd.s32 s0, s25;
	s13 =	sadd.s32 s0, s26  }
0x15: {  	s19 =	simm.s32 $0x200;
	s23 =	simm.s32 $0x14400;
	s24 =	simm.s32 $0x2  }
0x16: {  	s26 =	simm.s32 $0x18400;
	s0 =	simm.s32 $0x5;
	s25 =	simm.s32 $0xB  }
0x17: {  	[dreg:$0x6] =	wrdreg s7;
	s7 =	sadd.s32 s1, s20;
	s20 =	simm.s32 $0x1  }
0x18: {  	[dreg:$0x7] =	wrdreg s7;
	s7 =	sadd.s32 s1, s21;
	s1 =	sadd.s32 s1, s22  }
0x19: {  	s21 =	simm.s32 $0x40;
	s22 =	simm.s32 $0x6;
	[dreg:$0x8] =	wrdreg s7  }
0x1a: {  	[dreg:$0x9] =	wrdreg s1;
	s1 =	simm.s32 $0x8;
	s7 =	simm.s32 $0x0  }
.LBB2_1:
0x1b: {  	s8 =	rddreg [dreg:$0x5]  }
0x1c: {  	[tilespmem:s3], [sflag:$0x1] =	stream.linear.gather [hbm4b:s8+s3], $0x40, $0x38;
	[tilespmem:$0x1C480] =	vst v63  }
0x1d: {  	s17 =	rddreg [dreg:$0x6]  }
0x1e: {  	[tilespmem:s16], [sflag:$0x2] =	stream.linear.gather [hbm4b:s17+s3], $0x80, $0x38;
	[tilespmem:$0x1C480] =	vst v63  }
0x1f: {  	s8 =	rddreg [dreg:$0x7];
	s17 =	simm.s32 $0x100  }
0x20: {  	[tilespmem:s17], [sflag:$0x3] =	stream.linear.gather [hbm4b:s8+s3], $0x80, $0x38;
	[tilespmem:$0x1C480] =	vst v63  }
0x21: {  	s8 =	rddreg [dreg:$0x8]  }
0x22: {  	[tilespmem:s18], [sflag:$0x4] =	stream.linear.gather [hbm4b:s8+s3], $0x80, $0x38;
	[tilespmem:$0x1C480] =	vst v63  }
0x23: {  	s8 =	rddreg [dreg:$0x9]  }
0x24: {  	[tilespmem:s19], [sflag:$0x5] =	stream.linear.gather [hbm4b:s8+s3], $0x40, $0x38;
	[tilespmem:$0x1C480] =	vst v63  }
0x25: {  	_ =	swait.ge [sflag:s20], $0x40  }
0x26: {  	[sflag:s20] =	ssyncset.done $0x0  }
0x27: {  	s8 =	simm.s32 $0x400;
	[sflag:s20] =	ssyncadd.s32 $0xFFFFFFC0  }
0x28: {  	[tilespmem:s8], [sflag:$0x6] =	stream.indirect.gather [hbm4b:s2+s21], $0x80, s3, s21, $0xb8;
	[tilespmem:$0x1C480] =	vst v63  }
0x29: {  	_ = 	snop  }
0x2a: {  	[tilespmem:s23], [sflag:$0xB] =	stream.linear.gather [hbm4b:s9+s3], $0x2000, $0x38;
	[tilespmem:$0x1C480] =	vst v63  }
0x2b: {  	_ =	swait.ge [sflag:s24], $0x80  }
0x2c: {  	[sflag:s24] =	ssyncset.done $0x0  }
0x2d: {  	s8 =	simm.s32 $0x4400;
	[sflag:s24] =	ssyncadd.s32 $0xFFFFFF80  }
0x2e: {  	[tilespmem:s8], [sflag:$0x7] =	stream.indirect.gather [hbm4b:s2+s16], $0x80, s16, s16, $0xb8;
	[tilespmem:$0x1C480] =	vst v63  }
0x2f: {  	_ = 	snop  }
0x30: {  	[tilespmem:s26], [sflag:$0xC] =	stream.linear.gather [hbm4b:s10+s3], $0x4000, $0x38;
	[tilespmem:$0x1C480] =	vst v63  }
0x31: {  	_ =	swait.ge [sflag:s28], $0x80  }
0x32: {  	[sflag:s28] =	ssyncset.done $0x0  }
0x33: {  	s8 =	simm.s32 $0x8400;
	[sflag:s28] =	ssyncadd.s32 $0xFFFFFF80  }
0x34: {  	[tilespmem:s8], [sflag:$0x8] =	stream.indirect.gather [hbm4b:s2+s16], $0x80, s17, s16, $0xb8;
	[tilespmem:$0x1C480] =	vst v63  }
0x35: {  	_ =	swait.ge [sflag:s30], $0x80  }
0x36: {  	[sflag:s30] =	ssyncset.done $0x0  }
0x37: {  	s17 =	simm.s32 $0xC400;
	[sflag:s30] =	ssyncadd.s32 $0xFFFFFF80  }
0x38: {  	[tilespmem:s17], [sflag:$0x9] =	stream.indirect.gather [hbm4b:s2+s16], $0x80, s18, s16, $0xb8;
	[tilespmem:$0x1C480] =	vst v63  }
0x39: {  	_ =	swait.ge [sflag:s0], $0x40  }
0x3a: {  	[sflag:s0] =	ssyncset.done $0x0  }
0x3b: {  	s17 =	simm.s32 $0x10400;
	[sflag:s0] =	ssyncadd.s32 $0xFFFFFFC0  }
0x3c: {  	[tilespmem:s17], [sflag:$0xA] =	stream.indirect.gather [hbm4b:s2+s21], $0x80, s19, s21, $0xb8;
	[tilespmem:$0x1C480] =	vst v63  }
0x3d: {  	_ =	swait.ge [sflag:s22], $0x2000  }
0x3e: {  	[sflag:s22] =	ssyncset.done $0x0  }
0x3f: {  	[sflag:s22] =	ssyncadd.s32 $0xFFFFE000  }
0x40: {  	_ =	swait.ge [sflag:s25], $0x2000  }
0x41: {  	[sflag:s25] =	ssyncset.done $0x0  }
0x42: {  	s8 =	simm.s32 $0x0;
	[sflag:s25] =	ssyncadd.s32 $0xFFFFE000  }
0x43: {  	v0 =	vld [tilespmem:s8+$0x14470]  }
0x44: {  	v1 =	vld [tilespmem:s8+$0x470]  }
0x45: {  	v2 =	vld [tilespmem:s8+$0x14400]  }
0x46: {  	v3 =	vld [tilespmem:s8+$0x400]  }
0x47: {  	v4 =	vld [tilespmem:s8+$0x14410]  }
0x48: {  	v5 =	vld [tilespmem:s8+$0x410]  }
0x49: {  	v6 =	vld [tilespmem:s8+$0x14420]  }
0x4a: {  	v7 =	vld [tilespmem:s8+$0x420]  }
0x4b: {  	v9 =	vld [tilespmem:s8+$0x14430]  }
0x4c: {  	v10 =	vld [tilespmem:s8+$0x430];
	_ =	sdelay $0x2  }
0x4d: {  	v14 =	vld [tilespmem:s8+$0x14440];
	v0 =	vsub.f32 v0, v1;
	v1 =	vsub.f32 v2, v3  }
0x4e: {  	v2 =	vsub.f32 v4, v5;
	v5 =	vld [tilespmem:s8+$0x440];
	v3 =	vsub.f32 v6, v7  }
0x4f: {  	v8 =	vld [tilespmem:s8+$0x14450];
	v4 =	vimm.f32 $0.0e+00;
	v6 =	vsub.f32 v9, v10;
	v0 =	vmul.f32 v0, v0  }
0x50: {  	v11 =	vld [tilespmem:s8+$0x450];
	v7 =	vimm.f32 $0.0e+00;
	v1 =	vmul.f32 v1, v1;
	v2 =	vmul.f32 v2, v2  }
0x51: {  	v12 =	vld [tilespmem:s8+$0x460];
	v3 =	vmul.f32 v3, v3;
	v13 =	vmul.f32 v6, v6;
	v0 =	vadd.f32 v0, v4  }
0x52: {  	s17 =	simm.s32 $0x80;
	v9 =	vld [tilespmem:s8+$0x14460];
	v6 =	vimm.f32 $0.0e+00;
	v1 =	vadd.f32 v1, v4;
	v2 =	vadd.f32 v2, v4  }
0x53: {  	v10 =	vld [tilespmem:s17+$0x14470];
	s8 =	simm.s32 $0x400;
	v3 =	vadd.f32 v3, v4;
	v14 =	vsub.f32 v14, v5;
	v5 =	vimm.f32 $0.0e+00  }
.LBB2_2:
0x54: {  	p0 =	sne.s32 s8, $0x7E00;
	v15 =	vld [tilespmem:s17+$0x470]  }
0x55: {  	v16 =	vld [tilespmem:s17+$0x14400];
	v4 =	vadd.f32 v13, v4;
	v13 =	vmul.f32 v14, v14;
	v8 =	vsub.f32 v8, v11  }
0x56: {  	v11 =	vld [tilespmem:s17+$0x400]  }
0x57: {  	v14 =	vld [tilespmem:s17+$0x14410];
	v7 =	vadd.f32 v13, v7;
	v8 =	vmul.f32 v8, v8;
	v9 =	vsub.f32 v9, v12  }
0x58: {  	v12 =	vld [tilespmem:s17+$0x410]  }
0x59: {  	v13 =	vld [tilespmem:s17+$0x14420];
	v10 =	vsub.f32 v10, v15;
	v6 =	vadd.f32 v8, v6;
	v8 =	vmul.f32 v9, v9  }
0x5a: {  	v9 =	vld [tilespmem:s17+$0x420]  }
0x5b: {  	v11 =	vsub.f32 v16, v11;
	v15 =	vld [tilespmem:s17+$0x14430];
	v10 =	vmul.f32 v10, v10;
	v5 =	vadd.f32 v8, v5  }
0x5c: {  	v16 =	vld [tilespmem:s17+$0x430]  }
0x5d: {  	v8 =	vmul.f32 v11, v11;
	v11 =	vsub.f32 v14, v12;
	v14 =	vld [tilespmem:s17+$0x14440];
	v0 =	vadd.f32 v10, v0  }
0x5e: {  	v17 =	vld [tilespmem:s17+$0x440]  }
.Ltmp0:
0x5f: {  	v1 =	vadd.f32 v8, v1;
	v10 =	vmul.f32 v11, v11;
	v9 =	vsub.f32 v13, v9;
	v8 =	vld [tilespmem:s17+$0x14450];
	(pc) =	sbr.rel @p0 .LBB2_2-.Ltmp0, $4  }
0x60: {  	v11 =	vld [tilespmem:s17+$0x450]  }
0x61: {  	v2 =	vadd.f32 v10, v2;
	v13 =	vmul.f32 v9, v9;
	v15 =	vsub.f32 v15, v16;
	v9 =	vld [tilespmem:s17+$0x14460]  }
0x62: {  	v12 =	vld [tilespmem:s17+$0x460];
	s17 =	sshra.s32 s8, $0x2  }
0x63: {  	s8 =	sadd.s32 $0x200, s8;
	v10 =	vld [tilespmem:s17+$0x14470];
	v3 =	vadd.f32 v13, v3;
	v13 =	vmul.f32 v15, v15;
	v14 =	vsub.f32 v14, v17  }
0x64: {  	v15 =	vld [tilespmem:s17+$0x470]  }
0x65: {  	v16 =	vld [tilespmem:s17+$0x14400]  }
0x66: {  	v17 =	vld [tilespmem:s17+$0x400]  }
0x67: {  	v18 =	vld [tilespmem:s17+$0x14410]  }
0x68: {  	v19 =	vld [tilespmem:s17+$0x410]  }
0x69: {  	v20 =	vld [tilespmem:s17+$0x14420]  }
0x6a: {  	v21 =	vld [tilespmem:s17+$0x420]  }
0x6b: {  	v22 =	vld [tilespmem:s17+$0x14430]  }
0x6c: {  	v23 =	vld [tilespmem:s17+$0x430]  }
0x6d: {  	v24 =	vld [tilespmem:s17+$0x14440]  }
0x6e: {  	v25 =	vld [tilespmem:s17+$0x440]  }
0x6f: {  	v26 =	vld [tilespmem:s17+$0x14450]  }
0x70: {  	v27 =	vld [tilespmem:s17+$0x450]  }
0x71: {  	v28 =	vld [tilespmem:s17+$0x14460];
	s8 =	simm.s32 $0x0  }
0x72: {  	v29 =	vld [tilespmem:s17+$0x460];
	[tilespmem:s23], [sflag:$0xB] =	stream.linear.gather [hbm4b:s11+s8], $0x4000, $0x38  }
0x73: {  	_ =	swait.ge [sflag:s29], $0x4000  }
0x74: {  	[sflag:s29] =	ssyncset.done $0x0  }
0x75: {  	[sflag:s29] =	ssyncadd.s32 $0xFFFFC000  }
0x76: {  	_ =	swait.ge [sflag:s31], $0x4000  }
0x77: {  	v8 =	vsub.f32 v8, v11;
	[sflag:s31] =	ssyncset.done $0x0  }
0x78: {  	v11 =	vmul.f32 v14, v14;
	s8 =	simm.s32 $0x0;
	[sflag:s31] =	ssyncadd.s32 $0xFFFFC000  }
0x79: {  	v8 =	vmul.f32 v8, v8;
	v9 =	vsub.f32 v9, v12;
	v12 =	vld [tilespmem:s8+$0x18470]  }
0x7a: {  	v4 =	vadd.f32 v13, v4;
	v7 =	vadd.f32 v11, v7;
	v11 =	vld [tilespmem:s8+$0x4470]  }
0x7b: {  	v10 =	vsub.f32 v10, v15;
	v6 =	vadd.f32 v8, v6;
	v8 =	vmul.f32 v9, v9;
	v9 =	vld [tilespmem:s8+$0x18400]  }
0x7c: {  	v13 =	vsub.f32 v16, v17;
	v14 =	vsub.f32 v18, v19;
	v15 =	vld [tilespmem:s8+$0x4400]  }
0x7d: {  	v5 =	vadd.f32 v8, v5;
	v8 =	vmul.f32 v10, v10;
	v10 =	vsub.f32 v20, v21;
	v54 =	vld [tilespmem:s8+$0x18410]  }
0x7e: {  	v55 =	vsub.f32 v22, v23;
	v13 =	vmul.f32 v13, v13;
	v14 =	vmul.f32 v14, v14;
	v56 =	vld [tilespmem:s8+$0x4410]  }
0x7f: {  	v57 =	vadd.f32 v8, v0;
	v0 =	vmul.f32 v10, v10;
	v8 =	vsub.f32 v24, v25;
	v10 =	vld [tilespmem:s8+$0x18420]  }
0x80: {  	v13 =	vadd.f32 v13, v1;
	v14 =	vadd.f32 v14, v2;
	v1 =	vmul.f32 v55, v55;
	v2 =	vld [tilespmem:s8+$0x4420]  }
0x81: {  	v59 =	vld [tilespmem:s8+$0x18430];
	v58 =	vadd.f32 v0, v3;
	v3 =	vmul.f32 v8, v8;
	v8 =	vsub.f32 v26, v27  }
0x82: {  	v60 =	vld [tilespmem:s8+$0x4430];
	v0 =	vadd.f32 v1, v4;
	v1 =	vsub.f32 v28, v29  }
0x83: {  	v61 =	vld [tilespmem:s8+$0x18440];
	v4 =	vadd.f32 v3, v7;
	v3 =	vmul.f32 v8, v8;
	v8 =	vsub.f32 v12, v11  }
0x84: {  	v9 =	vsub.f32 v9, v15;
	v1 =	vmul.f32 v1, v1;
	v11 =	vsub.f32 v54, v56;
	v15 =	vld [tilespmem:s8+$0x4440]  }
0x85: {  	v2 =	vsub.f32 v10, v2;
	v7 =	vadd.f32 v3, v6;
	v3 =	vmul.f32 v8, v8;
	v8 =	vld [tilespmem:s8+$0x18450]  }
0x86: {  	v6 =	vadd.f32 v1, v5;
	v5 =	vmul.f32 v9, v9;
	v10 =	vmul.f32 v11, v11;
	v11 =	vld [tilespmem:s8+$0x4450]  }
0x87: {  	v63 =	vsub.f32 v59, v60;
	v12 =	vld [tilespmem:s8+$0x4460];
	v62 =	vmul.f32 v2, v2;
	v1 =	vadd.f32 v3, v57  }
0x88: {  	s17 =	simm.s32 $0x80;
	v9 =	vld [tilespmem:s8+$0x18460];
	v2 =	vadd.f32 v5, v13;
	v3 =	vadd.f32 v10, v14  }
0x89: {  	s8 =	simm.s32 $0x400;
	v10 =	vld [tilespmem:s17+$0x18470];
	v13 =	vmul.f32 v63, v63;
	v5 =	vadd.f32 v62, v58;
	v14 =	vsub.f32 v61, v15  }
.LBB2_4:
0x8a: {  	p0 =	sne.s32 s8, $0xFE00;
	v15 =	vld [tilespmem:s17+$0x4470]  }
0x8b: {  	v16 =	vld [tilespmem:s17+$0x18400];
	v0 =	vadd.f32 v13, v0;
	v13 =	vmul.f32 v14, v14;
	v8 =	vsub.f32 v8, v11  }
0x8c: {  	v11 =	vld [tilespmem:s17+$0x4400]  }
0x8d: {  	v14 =	vld [tilespmem:s17+$0x18410];
	v4 =	vadd.f32 v13, v4;
	v8 =	vmul.f32 v8, v8;
	v9 =	vsub.f32 v9, v12  }
0x8e: {  	v12 =	vld [tilespmem:s17+$0x4410]  }
0x8f: {  	v13 =	vld [tilespmem:s17+$0x18420];
	v10 =	vsub.f32 v10, v15;
	v7 =	vadd.f32 v8, v7;
	v8 =	vmul.f32 v9, v9  }
0x90: {  	v9 =	vld [tilespmem:s17+$0x4420]  }
0x91: {  	v11 =	vsub.f32 v16, v11;
	v15 =	vld [tilespmem:s17+$0x18430];
	v10 =	vmul.f32 v10, v10;
	v6 =	vadd.f32 v8, v6  }
0x92: {  	v16 =	vld [tilespmem:s17+$0x4430]  }
0x93: {  	v8 =	vmul.f32 v11, v11;
	v11 =	vsub.f32 v14, v12;
	v14 =	vld [tilespmem:s17+$0x18440];
	v1 =	vadd.f32 v10, v1  }
0x94: {  	v17 =	vld [tilespmem:s17+$0x4440]  }
.Ltmp1:
0x95: {  	v2 =	vadd.f32 v8, v2;
	v10 =	vmul.f32 v11, v11;
	v9 =	vsub.f32 v13, v9;
	v8 =	vld [tilespmem:s17+$0x18450];
	(pc) =	sbr.rel @p0 .LBB2_4-.Ltmp1, $4  }
0x96: {  	v11 =	vld [tilespmem:s17+$0x4450]  }
0x97: {  	v3 =	vadd.f32 v10, v3;
	v13 =	vmul.f32 v9, v9;
	v15 =	vsub.f32 v15, v16;
	v9 =	vld [tilespmem:s17+$0x18460]  }
0x98: {  	v12 =	vld [tilespmem:s17+$0x4460];
	s17 =	sshra.s32 s8, $0x2  }
0x99: {  	s8 =	sadd.s32 $0x200, s8;
	v10 =	vld [tilespmem:s17+$0x18470];
	v5 =	vadd.f32 v13, v5;
	v13 =	vmul.f32 v15, v15;
	v14 =	vsub.f32 v14, v17  }
0x9a: {  	v15 =	vld [tilespmem:s17+$0x4470]  }
0x9b: {  	v16 =	vld [tilespmem:s17+$0x18400]  }
0x9c: {  	v17 =	vld [tilespmem:s17+$0x4400]  }
0x9d: {  	v18 =	vld [tilespmem:s17+$0x18410]  }
0x9e: {  	v19 =	vld [tilespmem:s17+$0x4410]  }
0x9f: {  	v20 =	vld [tilespmem:s17+$0x18420]  }
0xa0: {  	v21 =	vld [tilespmem:s17+$0x4420]  }
0xa1: {  	v22 =	vld [tilespmem:s17+$0x18430]  }
0xa2: {  	v23 =	vld [tilespmem:s17+$0x4430]  }
0xa3: {  	v24 =	vld [tilespmem:s17+$0x18440]  }
0xa4: {  	v25 =	vld [tilespmem:s17+$0x4440]  }
0xa5: {  	v26 =	vld [tilespmem:s17+$0x18450]  }
0xa6: {  	v27 =	vld [tilespmem:s17+$0x4450]  }
0xa7: {  	v28 =	vld [tilespmem:s17+$0x18460];
	s8 =	simm.s32 $0x0  }
0xa8: {  	v29 =	vld [tilespmem:s17+$0x4460];
	[tilespmem:s26], [sflag:$0xC] =	stream.linear.gather [hbm4b:s12+s8], $0x4000, $0x38  }
0xa9: {  	_ =	swait.ge [sflag:s1], $0x4000  }
0xaa: {  	[sflag:s1] =	ssyncset.done $0x0  }
0xab: {  	[sflag:s1] =	ssyncadd.s32 $0xFFFFC000  }
0xac: {  	_ =	swait.ge [sflag:s25], $0x4000  }
0xad: {  	v8 =	vsub.f32 v8, v11;
	[sflag:s25] =	ssyncset.done $0x0  }
0xae: {  	v11 =	vmul.f32 v14, v14;
	s8 =	simm.s32 $0x0;
	[sflag:s25] =	ssyncadd.s32 $0xFFFFC000  }
0xaf: {  	v8 =	vmul.f32 v8, v8;
	v9 =	vsub.f32 v9, v12;
	v12 =	vld [tilespmem:s8+$0x14470]  }
0xb0: {  	v0 =	vadd.f32 v13, v0;
	v4 =	vadd.f32 v11, v4;
	v11 =	vld [tilespmem:s8+$0x8470]  }
0xb1: {  	v10 =	vsub.f32 v10, v15;
	v7 =	vadd.f32 v8, v7;
	v8 =	vmul.f32 v9, v9;
	v9 =	vld [tilespmem:s8+$0x14400]  }
0xb2: {  	v13 =	vsub.f32 v16, v17;
	v14 =	vsub.f32 v18, v19;
	v15 =	vld [tilespmem:s8+$0x8400]  }
0xb3: {  	v6 =	vadd.f32 v8, v6;
	v8 =	vmul.f32 v10, v10;
	v10 =	vsub.f32 v20, v21;
	v56 =	vld [tilespmem:s8+$0x14410]  }
0xb4: {  	v57 =	vsub.f32 v22, v23;
	v13 =	vmul.f32 v13, v13;
	v14 =	vmul.f32 v14, v14;
	v58 =	vld [tilespmem:s8+$0x8410]  }
0xb5: {  	v59 =	vld [tilespmem:s8+$0x14420];
	v1 =	vadd.f32 v8, v1;
	v8 =	vmul.f32 v10, v10;
	v10 =	vsub.f32 v24, v25  }
0xb6: {  	v2 =	vadd.f32 v13, v2;
	v3 =	vadd.f32 v14, v3;
	v13 =	vmul.f32 v57, v57;
	v14 =	vld [tilespmem:s8+$0x8420]  }
0xb7: {  	v60 =	vld [tilespmem:s8+$0x14430];
	v5 =	vadd.f32 v8, v5;
	v8 =	vmul.f32 v10, v10;
	v10 =	vsub.f32 v26, v27  }
0xb8: {  	v61 =	vld [tilespmem:s8+$0x8430];
	v0 =	vadd.f32 v13, v0;
	v13 =	vsub.f32 v28, v29  }
0xb9: {  	v62 =	vld [tilespmem:s8+$0x14440];
	v4 =	vadd.f32 v8, v4;
	v8 =	vmul.f32 v10, v10;
	v10 =	vsub.f32 v12, v11  }
0xba: {  	v9 =	vsub.f32 v9, v15;
	v11 =	vmul.f32 v13, v13;
	v12 =	vsub.f32 v56, v58;
	v15 =	vld [tilespmem:s8+$0x8440]  }
0xbb: {  	v13 =	vsub.f32 v59, v14;
	v7 =	vadd.f32 v8, v7;
	v10 =	vmul.f32 v10, v10;
	v8 =	vld [tilespmem:s8+$0x14450]  }
0xbc: {  	v6 =	vadd.f32 v11, v6;
	v14 =	vmul.f32 v9, v9;
	v12 =	vmul.f32 v12, v12;
	v11 =	vld [tilespmem:s8+$0x8450]  }
0xbd: {  	v63 =	vsub.f32 v60, v61;
	v9 =	vld [tilespmem:s8+$0x14460];
	v13 =	vmul.f32 v13, v13;
	v1 =	vadd.f32 v10, v1  }
0xbe: {  	s17 =	simm.s32 $0x80;
	v2 =	vadd.f32 v14, v2;
	v3 =	vadd.f32 v12, v3;
	v12 =	vld [tilespmem:s8+$0x8460]  }
0xbf: {  	v10 =	vld [tilespmem:s17+$0x14470];
	s8 =	simm.s32 $0x400;
	v5 =	vadd.f32 v13, v5;
	v13 =	vmul.f32 v63, v63;
	v14 =	vsub.f32 v62, v15  }
.LBB2_6:
0xc0: {  	p0 =	sne.s32 s8, $0xFE00;
	v15 =	vld [tilespmem:s17+$0x8470]  }
0xc1: {  	v16 =	vld [tilespmem:s17+$0x14400];
	v0 =	vadd.f32 v13, v0;
	v13 =	vmul.f32 v14, v14;
	v8 =	vsub.f32 v8, v11  }
0xc2: {  	v11 =	vld [tilespmem:s17+$0x8400]  }
0xc3: {  	v14 =	vld [tilespmem:s17+$0x14410];
	v4 =	vadd.f32 v13, v4;
	v8 =	vmul.f32 v8, v8;
	v9 =	vsub.f32 v9, v12  }
0xc4: {  	v12 =	vld [tilespmem:s17+$0x8410]  }
0xc5: {  	v13 =	vld [tilespmem:s17+$0x14420];
	v10 =	vsub.f32 v10, v15;
	v7 =	vadd.f32 v8, v7;
	v8 =	vmul.f32 v9, v9  }
0xc6: {  	v9 =	vld [tilespmem:s17+$0x8420]  }
0xc7: {  	v11 =	vsub.f32 v16, v11;
	v15 =	vld [tilespmem:s17+$0x14430];
	v10 =	vmul.f32 v10, v10;
	v6 =	vadd.f32 v8, v6  }
0xc8: {  	v16 =	vld [tilespmem:s17+$0x8430]  }
0xc9: {  	v8 =	vmul.f32 v11, v11;
	v11 =	vsub.f32 v14, v12;
	v14 =	vld [tilespmem:s17+$0x14440];
	v1 =	vadd.f32 v10, v1  }
0xca: {  	v17 =	vld [tilespmem:s17+$0x8440]  }
.Ltmp2:
0xcb: {  	v2 =	vadd.f32 v8, v2;
	v10 =	vmul.f32 v11, v11;
	v9 =	vsub.f32 v13, v9;
	v8 =	vld [tilespmem:s17+$0x14450];
	(pc) =	sbr.rel @p0 .LBB2_6-.Ltmp2, $4  }
0xcc: {  	v11 =	vld [tilespmem:s17+$0x8450]  }
0xcd: {  	v3 =	vadd.f32 v10, v3;
	v13 =	vmul.f32 v9, v9;
	v15 =	vsub.f32 v15, v16;
	v9 =	vld [tilespmem:s17+$0x14460]  }
0xce: {  	v12 =	vld [tilespmem:s17+$0x8460];
	s17 =	sshra.s32 s8, $0x2  }
0xcf: {  	s8 =	sadd.s32 $0x200, s8;
	v10 =	vld [tilespmem:s17+$0x14470];
	v5 =	vadd.f32 v13, v5;
	v13 =	vmul.f32 v15, v15;
	v14 =	vsub.f32 v14, v17  }
0xd0: {  	v15 =	vld [tilespmem:s17+$0x8470]  }
0xd1: {  	v16 =	vld [tilespmem:s17+$0x14400]  }
0xd2: {  	v17 =	vld [tilespmem:s17+$0x8400]  }
0xd3: {  	v18 =	vld [tilespmem:s17+$0x14410]  }
0xd4: {  	v19 =	vld [tilespmem:s17+$0x8410]  }
0xd5: {  	v20 =	vld [tilespmem:s17+$0x14420]  }
0xd6: {  	v21 =	vld [tilespmem:s17+$0x8420]  }
0xd7: {  	v22 =	vld [tilespmem:s17+$0x14430]  }
0xd8: {  	v23 =	vld [tilespmem:s17+$0x8430]  }
0xd9: {  	v24 =	vld [tilespmem:s17+$0x14440]  }
0xda: {  	v25 =	vld [tilespmem:s17+$0x8440]  }
0xdb: {  	v26 =	vld [tilespmem:s17+$0x14450]  }
0xdc: {  	v27 =	vld [tilespmem:s17+$0x8450]  }
0xdd: {  	v28 =	vld [tilespmem:s17+$0x14460];
	s8 =	simm.s32 $0x0  }
0xde: {  	v29 =	vld [tilespmem:s17+$0x8460];
	[tilespmem:s23], [sflag:$0xB] =	stream.linear.gather [hbm4b:s13+s8], $0x2000, $0x38  }
0xdf: {  	_ =	swait.ge [sflag:s4], $0x4000  }
0xe0: {  	[sflag:s4] =	ssyncset.done $0x0  }
0xe1: {  	[sflag:s4] =	ssyncadd.s32 $0xFFFFC000  }
0xe2: {  	_ =	swait.ge [sflag:s31], $0x4000  }
0xe3: {  	v8 =	vsub.f32 v8, v11;
	[sflag:s31] =	ssyncset.done $0x0  }
0xe4: {  	v11 =	vmul.f32 v14, v14;
	s8 =	simm.s32 $0x0;
	[sflag:s31] =	ssyncadd.s32 $0xFFFFC000  }
0xe5: {  	v8 =	vmul.f32 v8, v8;
	v9 =	vsub.f32 v9, v12;
	v12 =	vld [tilespmem:s8+$0x18470]  }
0xe6: {  	v0 =	vadd.f32 v13, v0;
	v4 =	vadd.f32 v11, v4;
	v11 =	vld [tilespmem:s8+$0xC470]  }
0xe7: {  	v10 =	vsub.f32 v10, v15;
	v7 =	vadd.f32 v8, v7;
	v8 =	vmul.f32 v9, v9;
	v9 =	vld [tilespmem:s8+$0x18400]  }
0xe8: {  	v13 =	vsub.f32 v16, v17;
	v14 =	vsub.f32 v18, v19;
	v15 =	vld [tilespmem:s8+$0xC400]  }
0xe9: {  	v6 =	vadd.f32 v8, v6;
	v8 =	vmul.f32 v10, v10;
	v10 =	vsub.f32 v20, v21;
	v56 =	vld [tilespmem:s8+$0x18410]  }
0xea: {  	v57 =	vsub.f32 v22, v23;
	v13 =	vmul.f32 v13, v13;
	v14 =	vmul.f32 v14, v14;
	v58 =	vld [tilespmem:s8+$0xC410]  }
0xeb: {  	v59 =	vld [tilespmem:s8+$0x18420];
	v1 =	vadd.f32 v8, v1;
	v8 =	vmul.f32 v10, v10;
	v10 =	vsub.f32 v24, v25  }
0xec: {  	v2 =	vadd.f32 v13, v2;
	v3 =	vadd.f32 v14, v3;
	v13 =	vmul.f32 v57, v57;
	v14 =	vld [tilespmem:s8+$0xC420]  }
0xed: {  	v60 =	vld [tilespmem:s8+$0x18430];
	v5 =	vadd.f32 v8, v5;
	v8 =	vmul.f32 v10, v10;
	v10 =	vsub.f32 v26, v27  }
0xee: {  	v61 =	vld [tilespmem:s8+$0xC430];
	v0 =	vadd.f32 v13, v0;
	v13 =	vsub.f32 v28, v29  }
0xef: {  	v62 =	vld [tilespmem:s8+$0x18440];
	v4 =	vadd.f32 v8, v4;
	v8 =	vmul.f32 v10, v10;
	v10 =	vsub.f32 v12, v11  }
0xf0: {  	v9 =	vsub.f32 v9, v15;
	v11 =	vmul.f32 v13, v13;
	v12 =	vsub.f32 v56, v58;
	v15 =	vld [tilespmem:s8+$0xC440]  }
0xf1: {  	v13 =	vsub.f32 v59, v14;
	v7 =	vadd.f32 v8, v7;
	v10 =	vmul.f32 v10, v10;
	v8 =	vld [tilespmem:s8+$0x18450]  }
0xf2: {  	v6 =	vadd.f32 v11, v6;
	v14 =	vmul.f32 v9, v9;
	v12 =	vmul.f32 v12, v12;
	v11 =	vld [tilespmem:s8+$0xC450]  }
0xf3: {  	v63 =	vsub.f32 v60, v61;
	v9 =	vld [tilespmem:s8+$0x18460];
	v13 =	vmul.f32 v13, v13;
	v1 =	vadd.f32 v10, v1  }
0xf4: {  	s17 =	simm.s32 $0x80;
	v2 =	vadd.f32 v14, v2;
	v3 =	vadd.f32 v12, v3;
	v12 =	vld [tilespmem:s8+$0xC460]  }
0xf5: {  	v10 =	vld [tilespmem:s17+$0x18470];
	s8 =	simm.s32 $0x400;
	v5 =	vadd.f32 v13, v5;
	v13 =	vmul.f32 v63, v63;
	v14 =	vsub.f32 v62, v15  }
.LBB2_8:
0xf6: {  	p0 =	sne.s32 s8, $0xFE00;
	v15 =	vld [tilespmem:s17+$0xC470]  }
0xf7: {  	v16 =	vld [tilespmem:s17+$0x18400];
	v0 =	vadd.f32 v13, v0;
	v13 =	vmul.f32 v14, v14;
	v8 =	vsub.f32 v8, v11  }
0xf8: {  	v11 =	vld [tilespmem:s17+$0xC400]  }
0xf9: {  	v14 =	vld [tilespmem:s17+$0x18410];
	v4 =	vadd.f32 v13, v4;
	v8 =	vmul.f32 v8, v8;
	v9 =	vsub.f32 v9, v12  }
0xfa: {  	v12 =	vld [tilespmem:s17+$0xC410]  }
0xfb: {  	v13 =	vld [tilespmem:s17+$0x18420];
	v10 =	vsub.f32 v10, v15;
	v7 =	vadd.f32 v8, v7;
	v8 =	vmul.f32 v9, v9  }
0xfc: {  	v9 =	vld [tilespmem:s17+$0xC420]  }
0xfd: {  	v11 =	vsub.f32 v16, v11;
	v15 =	vld [tilespmem:s17+$0x18430];
	v10 =	vmul.f32 v10, v10;
	v6 =	vadd.f32 v8, v6  }
0xfe: {  	v16 =	vld [tilespmem:s17+$0xC430]  }
0xff: {  	v8 =	vmul.f32 v11, v11;
	v11 =	vsub.f32 v14, v12;
	v14 =	vld [tilespmem:s17+$0x18440];
	v1 =	vadd.f32 v10, v1  }
0x100: {  	v17 =	vld [tilespmem:s17+$0xC440]  }
.Ltmp3:
0x101: {  	v2 =	vadd.f32 v8, v2;
	v10 =	vmul.f32 v11, v11;
	v9 =	vsub.f32 v13, v9;
	v8 =	vld [tilespmem:s17+$0x18450];
	(pc) =	sbr.rel @p0 .LBB2_8-.Ltmp3, $4  }
0x102: {  	v11 =	vld [tilespmem:s17+$0xC450]  }
0x103: {  	v3 =	vadd.f32 v10, v3;
	v13 =	vmul.f32 v9, v9;
	v15 =	vsub.f32 v15, v16;
	v9 =	vld [tilespmem:s17+$0x18460]  }
0x104: {  	v12 =	vld [tilespmem:s17+$0xC460];
	s17 =	sshra.s32 s8, $0x2  }
0x105: {  	s8 =	sadd.s32 $0x200, s8;
	v10 =	vld [tilespmem:s17+$0x18470];
	v5 =	vadd.f32 v13, v5;
	v13 =	vmul.f32 v15, v15;
	v14 =	vsub.f32 v14, v17  }
0x106: {  	v15 =	vld [tilespmem:s17+$0xC470]  }
0x107: {  	v16 =	vld [tilespmem:s17+$0x18400]  }
0x108: {  	v17 =	vld [tilespmem:s17+$0xC400]  }
0x109: {  	v18 =	vld [tilespmem:s17+$0x18410]  }
0x10a: {  	v19 =	vld [tilespmem:s17+$0xC410]  }
0x10b: {  	v20 =	vld [tilespmem:s17+$0x18420]  }
0x10c: {  	v21 =	vld [tilespmem:s17+$0xC420]  }
0x10d: {  	v22 =	vld [tilespmem:s17+$0x18430]  }
0x10e: {  	v23 =	vld [tilespmem:s17+$0xC430]  }
0x10f: {  	v24 =	vld [tilespmem:s17+$0x18440]  }
0x110: {  	v25 =	vld [tilespmem:s17+$0xC440]  }
0x111: {  	v26 =	vld [tilespmem:s17+$0x18450]  }
0x112: {  	v27 =	vld [tilespmem:s17+$0xC450]  }
0x113: {  	v28 =	vld [tilespmem:s17+$0x18460]  }
0x114: {  	v29 =	vld [tilespmem:s17+$0xC460];
	_ =	swait.ge [sflag:s5], $0x2000  }
0x115: {  	[sflag:s5] =	ssyncset.done $0x0  }
0x116: {  	[sflag:s5] =	ssyncadd.s32 $0xFFFFE000  }
0x117: {  	v8 =	vsub.f32 v8, v11;
	_ =	swait.ge [sflag:s25], $0x2000  }
0x118: {  	v11 =	vmul.f32 v14, v14;
	[sflag:s25] =	ssyncset.done $0x0  }
0x119: {  	s8 =	simm.s32 $0x0;
	v8 =	vmul.f32 v8, v8;
	v9 =	vsub.f32 v9, v12;
	[sflag:s25] =	ssyncadd.s32 $0xFFFFE000  }
0x11a: {  	v0 =	vadd.f32 v13, v0;
	v11 =	vadd.f32 v11, v4;
	v12 =	vld [tilespmem:s8+$0x14470]  }
0x11b: {  	v4 =	vsub.f32 v10, v15;
	v7 =	vadd.f32 v8, v7;
	v8 =	vmul.f32 v9, v9;
	v13 =	vld [tilespmem:s8+$0x10470]  }
0x11c: {  	v10 =	vsub.f32 v16, v17;
	v14 =	vsub.f32 v18, v19;
	v9 =	vld [tilespmem:s8+$0x14400]  }
0x11d: {  	v15 =	vld [tilespmem:s8+$0x10400];
	v6 =	vadd.f32 v8, v6;
	v4 =	vmul.f32 v4, v4;
	v8 =	vsub.f32 v20, v21  }
0x11e: {  	v55 =	vsub.f32 v22, v23;
	v54 =	vld [tilespmem:s8+$0x14410];
	v10 =	vmul.f32 v10, v10  }
0x11f: {  	v56 =	vld [tilespmem:s8+$0x10410];
	v14 =	vmul.f32 v14, v14;
	v57 =	vadd.f32 v4, v1;
	v1 =	vmul.f32 v8, v8  }
0x120: {  	v4 =	vsub.f32 v24, v25;
	v8 =	vld [tilespmem:s8+$0x14420];
	v58 =	vadd.f32 v10, v2;
	v2 =	vmul.f32 v55, v55  }
0x121: {  	v59 =	vsub.f32 v26, v27;
	v14 =	vadd.f32 v14, v3;
	v10 =	vld [tilespmem:s8+$0x10420]  }
0x122: {  	v60 =	vld [tilespmem:s8+$0x14430];
	v5 =	vadd.f32 v1, v5;
	v1 =	vmul.f32 v4, v4;
	v4 =	vadd.f32 v2, v0  }
0x123: {  	v61 =	vld [tilespmem:s8+$0x10430];
	v0 =	vsub.f32 v28, v29;
	v9 =	vsub.f32 v9, v15  }
0x124: {  	v15 =	vld [tilespmem:s8+$0x10440];
	v3 =	vadd.f32 v1, v11;
	v1 =	vmul.f32 v59, v59;
	v11 =	vsub.f32 v12, v13  }
0x125: {  	v13 =	vld [tilespmem:s8+$0x14440];
	v0 =	vmul.f32 v0, v0;
	v12 =	vsub.f32 v54, v56  }
0x126: {  	v8 =	vsub.f32 v8, v10;
	v10 =	vld [tilespmem:s8+$0x14450];
	v2 =	vadd.f32 v1, v7;
	v7 =	vmul.f32 v11, v11  }
0x127: {  	v1 =	vadd.f32 v0, v6;
	v6 =	vmul.f32 v9, v9;
	v11 =	vmul.f32 v12, v12;
	v12 =	vld [tilespmem:s8+$0x10450]  }
0x128: {  	v63 =	vsub.f32 v60, v61;
	v9 =	vld [tilespmem:s8+$0x14460];
	v62 =	vmul.f32 v8, v8;
	v0 =	vadd.f32 v7, v57  }
0x129: {  	s17 =	simm.s32 $0x80;
	v6 =	vadd.f32 v6, v58;
	v7 =	vadd.f32 v11, v14;
	v11 =	vld [tilespmem:s8+$0x10460]  }
0x12a: {  	v8 =	vld [tilespmem:s17+$0x14470];
	s8 =	simm.s32 $0x400;
	v14 =	vmul.f32 v63, v63;
	v5 =	vadd.f32 v62, v5;
	v13 =	vsub.f32 v13, v15  }
.LBB2_10:
0x12b: {  	p0 =	sne.s32 s8, $0x7E00;
	v15 =	vld [tilespmem:s17+$0x10470]  }
0x12c: {  	v16 =	vld [tilespmem:s17+$0x14400];
	v4 =	vadd.f32 v14, v4;
	v13 =	vmul.f32 v13, v13;
	v10 =	vsub.f32 v10, v12  }
0x12d: {  	v12 =	vld [tilespmem:s17+$0x10400]  }
0x12e: {  	v14 =	vld [tilespmem:s17+$0x14410];
	v3 =	vadd.f32 v13, v3;
	v10 =	vmul.f32 v10, v10;
	v9 =	vsub.f32 v9, v11  }
0x12f: {  	v11 =	vld [tilespmem:s17+$0x10410]  }
0x130: {  	v13 =	vld [tilespmem:s17+$0x14420];
	v8 =	vsub.f32 v8, v15;
	v2 =	vadd.f32 v10, v2;
	v9 =	vmul.f32 v9, v9  }
0x131: {  	v10 =	vld [tilespmem:s17+$0x10420]  }
0x132: {  	v12 =	vsub.f32 v16, v12;
	v15 =	vld [tilespmem:s17+$0x14430];
	v8 =	vmul.f32 v8, v8;
	v1 =	vadd.f32 v9, v1  }
0x133: {  	v9 =	vld [tilespmem:s17+$0x10430]  }
0x134: {  	v12 =	vmul.f32 v12, v12;
	v11 =	vsub.f32 v14, v11;
	v16 =	vld [tilespmem:s17+$0x14440];
	v0 =	vadd.f32 v8, v0  }
0x135: {  	v17 =	vld [tilespmem:s17+$0x10440]  }
.Ltmp4:
0x136: {  	v6 =	vadd.f32 v12, v6;
	v8 =	vmul.f32 v11, v11;
	v11 =	vsub.f32 v13, v10;
	v10 =	vld [tilespmem:s17+$0x14450];
	(pc) =	sbr.rel @p0 .LBB2_10-.Ltmp4, $4  }
0x137: {  	v12 =	vld [tilespmem:s17+$0x10450]  }
0x138: {  	v7 =	vadd.f32 v8, v7;
	v13 =	vmul.f32 v11, v11;
	v14 =	vsub.f32 v15, v9;
	v9 =	vld [tilespmem:s17+$0x14460]  }
0x139: {  	v11 =	vld [tilespmem:s17+$0x10460];
	s17 =	sshra.s32 s8, $0x2  }
0x13a: {  	s8 =	sadd.s32 $0x200, s8;
	v8 =	vld [tilespmem:s17+$0x14470];
	v5 =	vadd.f32 v13, v5;
	v14 =	vmul.f32 v14, v14;
	v13 =	vsub.f32 v16, v17  }
0x13b: {  	v15 =	vld [tilespmem:s17+$0x14400]  }
0x13c: {  	v16 =	vld [tilespmem:s17+$0x10400]  }
0x13d: {  	v17 =	vld [tilespmem:s17+$0x14410]  }
0x13e: {  	v18 =	vld [tilespmem:s17+$0x10410]  }
0x13f: {  	v19 =	vld [tilespmem:s17+$0x14420]  }
0x140: {  	v20 =	vld [tilespmem:s17+$0x10420]  }
0x141: {  	v21 =	vld [tilespmem:s17+$0x14430]  }
0x142: {  	v22 =	vld [tilespmem:s17+$0x10430]  }
0x143: {  	v23 =	vld [tilespmem:s17+$0x14440]  }
0x144: {  	v44 =	vld [tilespmem:s17+$0x10440];
	v15 =	vsub.f32 v15, v16;
	v43 =	vsub.f32 v17, v18  }
0x145: {  	v49 =	vld [tilespmem:s17+$0x14450];
	v4 =	vadd.f32 v14, v4  }
0x146: {  	v51 =	vld [tilespmem:s17+$0x10450];
	v48 =	vsub.f32 v19, v20;
	v46 =	vmul.f32 v15, v15;
	v47 =	vmul.f32 v43, v43  }
0x147: {  	v53 =	vld [tilespmem:s17+$0x14460];
	v10 =	vsub.f32 v10, v12;
	v45 =	vmul.f32 v13, v13;
	v50 =	vsub.f32 v21, v22  }
0x148: {  	v55 =	vld [tilespmem:s17+$0x10460];
	v52 =	vmul.f32 v48, v48;
	v6 =	vadd.f32 v46, v6;
	v7 =	vadd.f32 v47, v7  }
0x149: {  	v3 =	vadd.f32 v45, v3;
	v54 =	vsub.f32 v23, v44  }
0x14a: {  	v56 =	vld [tilespmem:s17+$0x10470];
	v12 =	vmul.f32 v50, v50;
	v5 =	vadd.f32 v52, v5;
	v6 =	vadd.f32 v7, v6  }
0x14b: {  	v9 =	vsub.f32 v9, v11;
	v10 =	vmul.f32 v10, v10;
	v57 =	vsub.f32 v49, v51  }
0x14c: {  	v11 =	vmul.f32 v54, v54;
	v4 =	vadd.f32 v12, v4;
	v5 =	vadd.f32 v5, v6  }
0x14d: {  	v2 =	vadd.f32 v10, v2;
	v58 =	vmul.f32 v9, v9;
	v60 =	vsub.f32 v53, v55  }
0x14e: {  	v59 =	vmul.f32 v57, v57;
	v3 =	vadd.f32 v11, v3;
	v4 =	vadd.f32 v4, v5  }
0x14f: {  	v61 =	vsub.f32 v8, v56;
	v1 =	vadd.f32 v58, v1  }
0x150: {  	v62 =	vmul.f32 v60, v60;
	v2 =	vadd.f32 v59, v2;
	v3 =	vadd.f32 v3, v4;
	_ =	sdelay $0x1  }
0x151: {  	v63 =	vmul.f32 v61, v61;
	v1 =	vadd.f32 v62, v1;
	v2 =	vadd.f32 v2, v3;
	_ =	sdelay $0x1  }
0x152: {  	v0 =	vadd.f32 v63, v0;
	v1 =	vadd.f32 v1, v2;
	_ =	sdelay $0x1  }
0x153: {  	s7 =	sadd.s32 $0x1, s7;
	v0 =	vadd.f32 v0, v1  }
0x154: {  	p0 =	sne.s32 s7, s15  }
.Ltmp5:
0x155: {  	s8 =	simm.s32 $0x1C400;
	[tilespmem:$0x1C400] =	vst v0;
	(pc) =	sbr.rel @p0 .LBB2_1-.Ltmp5, $4  }
0x156: {  	[hbm4b:s14+s3] =	stream.linear.scatter [tilespmem:s8], [sflag:$0xD], $0x10, $0x38;
	[tilespmem:$0x1C480] =	vst v63  }
0x157: {  	_ =	swait.ge [sflag:s6], $0x10  }
0x158: {  	[sflag:s6] =	ssyncset.done $0x0  }
0x159: {  	[sflag:s6] =	ssyncadd.s32 $0xFFFFFFF0  }
0x15a: {  	_ =	sfence.sel $0x180000  }
0x15b: {  	[bflag:$0x0] =	sbarrier.arrive $0xFFFF  }
0x15c: {  	_ =	strace $0x90000047  }
0x15d: {  	s0 =	stileid.u32;
	[bflag:$0x2] =	sbarrier.arrive $0xFFFF  }
0x15e: {  	p0 =	sne.s32 s0, $0x0;
	s0 =	rddreg [dreg:$0x4]  }
0x15f: {  	s0 =	sadd.s32 @!p0 $0x100000, s0  }
0x160: {  	[sflag:s0] =	ssyncadd.tile.s32 @!p0 $0x1;
	_ =	shalt  }
.Lfunc_end2:
_tile_overlayer_lowered:
.L_overlay_start_2:
0x161: {  	(tag) =	ssettag $0x2  }
0x162: {  	s0 =	rddreg [dreg:$0x0];
	s2 =	stileid.u32  }
0x163: {  	s1 =	rddreg [dreg:$0x1];
	p0 =	sne.s32 s2, $0x0  }
0x164: {  	s3 =	rddreg [dreg:$0x2];
	[bflag:$0x3] =	sbarrier.arrive $0xFFFF;
	s2 =	simm.s32 @!p0 $0x1C0D  }
0x165: {  	[timem:s3], [sflag:s2] =	dma.local @!p0 [hbm:s0], s1  }
0x166: {  	s0 =	simm.s32 @!p0 $0xD  }
0x167: {  	_ =	swait.ge @!p0 [sflag:s0], s1  }
0x168: {  	s1 =	ssub.s32 @!p0 $0x0, s1;
	[sflag:s0] =	ssyncset.done @!p0 $0x0  }
0x169: {  	[sflag:s0] =	ssyncadd.s32 @!p0 s1  }
0x16a: {  	[bflag:$0x3] =	sbarrier.arrive $0xFFFF  }
0x16b: {  	_ =	shalt  }

</sc_bundles>
